<compile_context>
chip_gen: v7x
topology: tpu7x:2x2x1
jax: 0.10.2.dev20260603
libtpu: 0.0.44.dev20260713+nightly
codegen_flags: <defaults>
</compile_context>

<pallas_src>
import functools

import jax
import jax.numpy as jnp
from jax import lax
from jax.experimental import pallas as pl
from jax.experimental.pallas import tpu as pltpu
from jax.experimental.pallas import tpu_sc as plsc

N = 10000
NPAD = 10240
E = 320000
D = 128
NC = 2
NS = 16
NW = NC * NS
EPW = E // NW
CHUNK = 80
NCHUNK = EPW // CHUNK
RPS = NPAD // NS
DEGW = 16
CRPS = 624
CTAIL = N - NS * CRPS
DCH = CHUNK

_MESH = plsc.VectorSubcoreMesh(core_axis_name="c", subcore_axis_name="s")


@functools.partial(
    pl.kernel,
    out_type=jax.ShapeDtypeStruct((NC, NPAD, DEGW), jnp.float32),
    mesh=_MESH,
    scratch_types=[
        pltpu.VMEM_SHARED((NPAD, DEGW), jnp.float32),
        pltpu.VMEM((EPW,), jnp.int32),
        pltpu.VMEM((DCH, DEGW), jnp.float32),
        pltpu.VMEM((RPS, DEGW), jnp.float32),
        pltpu.SemaphoreType.DMA,
    ],
)
def _sc_degree(dst_hbm, out_hbm, acc, dstb, ones, zbuf, sem):
    cid = lax.axis_index("c")
    sid = lax.axis_index("s")
    wid = cid * NS + sid

    def _fill(i, _):
        zbuf[i, pl.ds(0, 16)] = jnp.zeros((16,), jnp.float32)
        ones[i % DCH, pl.ds(0, 16)] = jnp.ones((16,), jnp.float32)
        return 0

    lax.fori_loop(0, RPS, _fill, 0)
    pltpu.sync_copy(zbuf, acc.at[pl.ds(sid * RPS, RPS)])
    pltpu.sync_copy(dst_hbm.at[pl.ds(wid * EPW, EPW)], dstb)
    plsc.subcore_barrier()

    WIN = 8

    def _dst(g):
        return acc.at[dstb.at[pl.ds(g * DCH, DCH)]]

    def _body(g, _):
        pltpu.async_copy(ones, _dst(g), sem, add=True)

        @pl.when(g >= WIN)
        def _():
            pltpu.make_async_copy(ones, _dst(g - WIN), sem).wait()

        return 0

    lax.fori_loop(0, NCHUNK, _body, 0)
    for w in range(WIN):
        pltpu.make_async_copy(ones, _dst(NCHUNK - WIN + w), sem).wait()
    plsc.subcore_barrier()
    pltpu.sync_copy(acc.at[pl.ds(sid * RPS, RPS)],
                    out_hbm.at[cid, pl.ds(sid * RPS, RPS)])


@functools.partial(
    pl.kernel,
    out_type=jax.ShapeDtypeStruct((NC, N, D), jnp.float32),
    mesh=_MESH,
    scratch_types=[
        pltpu.VMEM_SHARED((N, D), jnp.float32),
        pltpu.VMEM((EPW,), jnp.int32),
        pltpu.VMEM((EPW,), jnp.int32),
        pltpu.VMEM((CHUNK, D), jnp.float32),
        pltpu.VMEM((CHUNK, D), jnp.float32),
        pltpu.VMEM((CHUNK, D), jnp.float32),
        pltpu.SemaphoreType.DMA,
        pltpu.SemaphoreType.DMA,
        pltpu.SemaphoreType.DMA,
        pltpu.SemaphoreType.DMA,
        pltpu.SemaphoreType.DMA,
        pltpu.SemaphoreType.DMA,
        pltpu.SemaphoreType.DMA,
    ],
)
def _sc_aggregate(src_hbm, dst_hbm, hs_hbm, zeros_hbm, out_hbm,
                  acc, srcb, dstb, rows0, rows1, rows2,
                  semg0, semg1, semg2, sems0, sems1, sems2, semz):
    cid = lax.axis_index("c")
    sid = lax.axis_index("s")
    wid = cid * NS + sid
    rows = (rows0, rows1, rows2)
    gsem = (semg0, semg1, semg2)
    ssem = (sems0, sems1, sems2)

    pltpu.async_copy(zeros_hbm.at[pl.ds(sid * CRPS, CRPS)],
                     acc.at[pl.ds(sid * CRPS, CRPS)], semz)

    @pl.when(sid == 0)
    def _():
        pltpu.async_copy(zeros_hbm.at[pl.ds(NS * CRPS, CTAIL)],
                         acc.at[pl.ds(NS * CRPS, CTAIL)], semz)

    pltpu.async_copy(src_hbm.at[pl.ds(wid * EPW, EPW)], srcb, semg0)
    pltpu.async_copy(dst_hbm.at[pl.ds(wid * EPW, EPW)], dstb, semg1)
    pltpu.make_async_copy(zeros_hbm.at[pl.ds(sid * CRPS, CRPS)],
                          acc.at[pl.ds(sid * CRPS, CRPS)], semz).wait()

    @pl.when(sid == 0)
    def _():
        pltpu.make_async_copy(zeros_hbm.at[pl.ds(NS * CRPS, CTAIL)],
                              acc.at[pl.ds(NS * CRPS, CTAIL)], semz).wait()

    pltpu.make_async_copy(src_hbm.at[pl.ds(wid * EPW, EPW)], srcb,
                          semg0).wait()
    pltpu.make_async_copy(dst_hbm.at[pl.ds(wid * EPW, EPW)], dstb,
                          semg1).wait()
    plsc.subcore_barrier()

    def _gref(g):
        return hs_hbm.at[srcb.at[pl.ds(g * CHUNK, CHUNK)]]

    def _sref(g):
        return acc.at[dstb.at[pl.ds(g * CHUNK, CHUNK)]]

    def _gather(g, b):
        pltpu.async_copy(_gref(g), rows[b], gsem[b])

    def _gather_wait(g, b):
        pltpu.make_async_copy(_gref(g), rows[b], gsem[b]).wait()

    def _scatter(g, b):
        pltpu.async_copy(rows[b], _sref(g), ssem[b], add=True)

    def _scatter_wait(g, b):
        pltpu.make_async_copy(rows[b], _sref(g), ssem[b]).wait()

    _gather(0, 0)
    _gather(1, 1)
    _gather_wait(0, 0)
    _scatter(0, 0)
    _gather(2, 2)
    _gather_wait(1, 1)
    _scatter(1, 1)

    def _body(i, _):
        for k in range(3):
            g = 3 * i + 2 + k
            b = (2 + k) % 3
            _scatter_wait(g - 2, k)

            @pl.when(g + 1 < NCHUNK)
            def _():
                _gather(g + 1, k)

            _gather_wait(g, b)
            _scatter(g, b)
        return 0

    assert (NCHUNK - 2) % 3 == 0
    lax.fori_loop(0, (NCHUNK - 2) // 3, _body, 0)
    _scatter_wait(NCHUNK - 2, (NCHUNK - 2) % 3)
    _scatter_wait(NCHUNK - 1, (NCHUNK - 1) % 3)
    plsc.subcore_barrier()
    pltpu.async_copy(acc.at[pl.ds(sid * CRPS, CRPS)],
                     out_hbm.at[cid, pl.ds(sid * CRPS, CRPS)], semz)

    @pl.when(sid == 0)
    def _():
        pltpu.async_copy(acc.at[pl.ds(NS * CRPS, CTAIL)],
                         out_hbm.at[cid, pl.ds(NS * CRPS, CTAIL)], semz)

    pltpu.make_async_copy(acc.at[pl.ds(sid * CRPS, CRPS)],
                          out_hbm.at[cid, pl.ds(sid * CRPS, CRPS)],
                          semz).wait()

    @pl.when(sid == 0)
    def _():
        pltpu.make_async_copy(acc.at[pl.ds(NS * CRPS, CTAIL)],
                              out_hbm.at[cid, pl.ds(NS * CRPS, CTAIL)],
                              semz).wait()


BLK = 1000
GRID = N // BLK


def _k1_body(x_ref, w_ref, degp_ref, hs_ref, dinv_ref):
    deg = degp_ref[0, :, 0:1] + degp_ref[1, :, 0:1]
    dinv = lax.rsqrt(deg)
    y = jnp.dot(x_ref[...], w_ref[...], preferred_element_type=jnp.float32)
    hs_ref[...] = y * dinv
    dinv_ref[...] = dinv


def _k2_body(p_ref, hs1_ref, dinv_ref, b1_ref, w2_ref, hs2_ref):
    dinv = dinv_ref[...]
    agg = p_ref[0] + p_ref[1] + hs1_ref[...]
    h = jnp.maximum(agg * dinv + b1_ref[...], 0.0)
    y2 = jnp.dot(h, w2_ref[...], preferred_element_type=jnp.float32)
    hs2_ref[...] = y2 * dinv


def _k3_body(q_ref, hs2_ref, dinv_ref, b2_ref, out_ref):
    agg = q_ref[0] + q_ref[1] + hs2_ref[...]
    out_ref[...] = agg * dinv_ref[...] + b2_ref[...]


def _row_spec(shape):
    nd = len(shape)
    if nd == 2:
        return pl.BlockSpec((BLK, shape[1]), lambda i: (i, 0))
    return pl.BlockSpec((shape[0], BLK, shape[2]), lambda i: (0, i, 0))


def _full_spec(shape):
    return pl.BlockSpec(shape, lambda i: tuple(0 for _ in shape))


def kernel(x, edge_index, W1, b1, W2, b2):
    src = edge_index[0].astype(jnp.int32)
    dst = edge_index[1].astype(jnp.int32)
    b1r = b1.reshape(1, D)
    b2r = b2.reshape(1, D)
    zeros = jnp.zeros((N, D), jnp.float32)

    degp = _sc_degree(dst)

    hs1, dinv = pl.pallas_call(
        _k1_body,
        grid=(GRID,),
        in_specs=[_row_spec((N, D)), _full_spec((D, D)),
                  _row_spec((NC, NPAD, DEGW))],
        out_specs=[_row_spec((N, D)),
                   pl.BlockSpec((BLK, 1), lambda i: (i, 0))],
        out_shape=[jax.ShapeDtypeStruct((N, D), jnp.float32),
                   jax.ShapeDtypeStruct((N, 1), jnp.float32)],
    )(x, W1, degp)

    p1 = _sc_aggregate(src, dst, hs1, zeros)

    hs2 = pl.pallas_call(
        _k2_body,
        grid=(GRID,),
        in_specs=[_row_spec((NC, N, D)), _row_spec((N, D)),
                  pl.BlockSpec((BLK, 1), lambda i: (i, 0)),
                  _full_spec((1, D)), _full_spec((D, D))],
        out_specs=_row_spec((N, D)),
        out_shape=jax.ShapeDtypeStruct((N, D), jnp.float32),
    )(p1, hs1, dinv, b1r, W2)

    p2 = _sc_aggregate(src, dst, hs2, zeros)

    logits = pl.pallas_call(
        _k3_body,
        grid=(GRID,),
        in_specs=[_row_spec((NC, N, D)), _row_spec((N, D)),
                  pl.BlockSpec((BLK, 1), lambda i: (i, 0)),
                  _full_spec((1, D))],
        out_specs=_row_spec((N, D)),
        out_shape=jax.ShapeDtypeStruct((N, D), jnp.float32),
    )(p2, hs2, dinv, b2r)

    return logits

# --- scband reference (transcript-rebuilt; emitter-appended) ---
"""Pipeline reference for scband-gcn-65412351918394 (READ-ONLY COPY).

The authoritative reference and input builder live on the scoring server;
editing this copy changes nothing except your own understanding.
"""

import jax, jax.numpy as jnp
import numpy as np

N_NODES = 10000
N_EDGES = 320000
D_IN = 128
HIDDEN = [128, 128]


def gcn_conv(x, src, dst, W, b):
    N = x.shape[0]
    # linear transform first (PyG GCNConv order)
    x = x @ W
    # add self loops
    loop = jnp.arange(N, dtype=src.dtype)
    src_sl = jnp.concatenate([src, loop])
    dst_sl = jnp.concatenate([dst, loop])
    # symmetric normalization
    deg = jnp.zeros((N,), dtype=x.dtype).at[dst_sl].add(1.0)
    dinv = jnp.where(deg > 0, deg ** -0.5, 0.0)
    norm = dinv[src_sl] * dinv[dst_sl]
    # gather messages from source nodes, scale, scatter-add to dst
    msg = x[src_sl] * norm[:, None]
    out = jnp.zeros((N, x.shape[1]), dtype=x.dtype).at[dst_sl].add(msg)
    return out + b


def setup_inputs(seed: int = 0) -> dict:
    key = jax.random.key(seed)
    k1, k2, k3, k4, k5 = jax.random.split(key, 5)
    x = jax.random.normal(k1, (N_NODES, D_IN), dtype=jnp.float32)
    edge_index = jax.random.randint(k2, (2, N_EDGES), 0, N_NODES, dtype=jnp.int64)
    s1 = 1.0 / np.sqrt(D_IN)
    W1 = jax.random.uniform(k3, (D_IN, HIDDEN[0]), dtype=jnp.float32, minval=-s1, maxval=s1)
    b1 = jnp.zeros((HIDDEN[0],), dtype=jnp.float32)
    s2 = 1.0 / np.sqrt(HIDDEN[0])
    W2 = jax.random.uniform(k4, (HIDDEN[0], HIDDEN[1]), dtype=jnp.float32, minval=-s2, maxval=s2)
    b2 = jnp.zeros((HIDDEN[1],), dtype=jnp.float32)
    return {"x": x, "edge_index": edge_index, "W1": W1, "b1": b1, "W2": W2, "b2": b2}


def reference(x, edge_index, W1, b1, W2, b2):
    src, dst = edge_index[0], edge_index[1]
    h = jax.nn.relu(gcn_conv(x, src, dst, W1, b1))
    logits = gcn_conv(h, src, dst, W2, b2)
    return logits

if __name__ == "__main__":
    import jax
    _d = setup_inputs()
    print(jax.jit(kernel)(*tuple(_d.values())))

</pallas_src>

<mosaic_0001>
#map = affine_map<(d0, d1) -> (0)>
#map1 = affine_map<(d0, d1) -> (0, 0, 0)>
module attributes {stable_mosaic.version = 14 : i64} {
  func.func @_sc_degree(%arg0: i32, %arg1: i32, %arg2: memref<320000xi32, #tpu.memory_space<hbm>>, %arg3: memref<2x10240x16xf32, #tpu.memory_space<hbm>>, %arg4: memref<10240x16xf32, #tpu.memory_space<vmem_shared>>, %arg5: memref<10000xi32, #tpu.memory_space<vmem>>, %arg6: memref<80x16xf32, #tpu.memory_space<vmem>>, %arg7: memref<640x16xf32, #tpu.memory_space<vmem>>, %arg8: memref<!tpu.dma_semaphore, #tpu.memory_space<semaphore_mem>>) attributes {dimension_semantics = [#tpu.dimension_semantics<core_parallel>, #tpu.dimension_semantics<subcore_parallel>], iteration_bounds = array<i64: 2, 16>, scalar_prefetch = 0 : i64, scratch_operands = 5 : i64, tpu.core_type = #tpu.core_type<sc_vector_subcore>, window_params = [{transform_indices = #map}, {transform_indices = #map1}]} {
    %mul3A = arith.constant 16 : i32
    %mul3A_0 = arith.muli %arg0, %mul3A : i32
    %add3A = arith.addi %mul3A_0, %arg1 : i32
    %scan3A = arith.constant 0 : i32
    %scan3A_1 = arith.constant 0 : i32
    %scan3A_2 = arith.constant 640 : i32
    %scan3A_3 = arith.addi %scan3A_1, %scan3A_2 : i32
    %scan3A_4 = arith.constant 1 : i32
    %scan3A_5 = scf.for %scan3A_62 = %scan3A_1 to %scan3A_3 step %scan3A_4 iter_args(%scan3A_63 = %scan3A) -> (i32)  : i32 {
      %broadcast_in_dim3A = arith.constant 0.000000e+00 : f32
      %broadcast_in_dim3A_64 = vector.broadcast %broadcast_in_dim3A : f32 to vector<16xf32>
      %swap3A = arith.index_cast %scan3A_62 : i32 to index
      %swap3A_65 = arith.constant 0 : index
      %swap3A_66 = tpu.vector_load %arg7[%swap3A, %swap3A_65] {strides = array<i32>} : memref<640x16xf32, #tpu.memory_space<vmem>>, vector<1x16xf32>,
      %swap3A_67 = vector.shape_cast %swap3A_66 : vector<1x16xf32> to vector<16xf32>
      %swap3A_68 = vector.shape_cast %broadcast_in_dim3A_64 : vector<16xf32> to vector<1x16xf32>
      tpu.vector_store %arg7[%swap3A, %swap3A_65], %swap3A_68 {strides = array<i32>} : memref<640x16xf32, #tpu.memory_space<vmem>>, vector<1x16xf32>,
      %broadcast_in_dim3A_69 = arith.constant 1.000000e+00 : f32
      %broadcast_in_dim3A_70 = vector.broadcast %broadcast_in_dim3A_69 : f32 to vector<16xf32>
      %jit3A = arith.constant 80 : i32
      %eq3A = arith.constant 0 : i32
      %eq3A_71 = arith.cmpi eq, %jit3A, %eq3A : i32
      %jit3A_72 = arith.constant 1 : i32
      %select_n3A = arith.select %eq3A_71, %jit3A_72, %jit3A : i32
      %rem3A = arith.remsi %scan3A_62, %select_n3A : i32
      %ne3A = arith.constant 0 : i32
      %ne3A_73 = arith.cmpi ne, %rem3A, %ne3A : i32
      %lt3A = arith.constant 0 : i32
      %lt3A_74 = arith.cmpi slt, %rem3A, %lt3A : i32
      %lt3A_75 = arith.constant 0 : i32
      %lt3A_76 = arith.cmpi slt, %select_n3A, %lt3A_75 : i32
      %ne3A_77 = arith.xori %lt3A_74, %lt3A_76 : i1
      %and3A = arith.andi %ne3A_77, %ne3A_73 : i1
      %add3A_78 = arith.addi %rem3A, %select_n3A : i32
      %select_n3A_79 = arith.select %and3A, %add3A_78, %rem3A : i32
      %swap3A_80 = arith.index_cast %select_n3A_79 : i32 to index
      %swap3A_81 = arith.constant 0 : index
      %swap3A_82 = tpu.vector_load %arg6[%swap3A_80, %swap3A_81] {strides = array<i32>} : memref<80x16xf32, #tpu.memory_space<vmem>>, vector<1x16xf32>,
      %swap3A_83 = vector.shape_cast %swap3A_82 : vector<1x16xf32> to vector<16xf32>
      %swap3A_84 = vector.shape_cast %broadcast_in_dim3A_70 : vector<16xf32> to vector<1x16xf32>
      tpu.vector_store %arg6[%swap3A_80, %swap3A_81], %swap3A_84 {strides = array<i32>} : memref<80x16xf32, #tpu.memory_space<vmem>>, vector<1x16xf32>,
      %scan3A_85 = arith.constant 0 : i32
      scf.yield %scan3A_85 : i32
    }
    %scan3A_6 = arith.constant 640 : i32
    %mul3A_7 = arith.constant 640 : i32
    %mul3A_8 = arith.muli %arg1, %mul3A_7 : i32
    "tpu.region"() ({
      %run_scoped3A = tpu.sem_alloc : memref<!tpu.dma_semaphore, #tpu.memory_space<semaphore_mem>>
      %dma_start3A = arith.constant 0 : i32
      %dma_start3A_62 = tpu.memref_slice %arg4[%mul3A_8, %dma_start3A] : memref<10240x16xf32, #tpu.memory_space<vmem_shared>> -> memref<640x16xf32, #tpu.memory_space<vmem_shared>>
      %dma_start3A_63 = arith.constant 0 : i32
      %dma_start3A_64 = tpu.memref_slice %arg4[%mul3A_8, %dma_start3A_63] : memref<10240x16xf32, #tpu.memory_space<vmem_shared>> -> memref<640x16xf32, #tpu.memory_space<vmem_shared>>
      tpu.enqueue_dma source(%arg7 : memref<640x16xf32, #tpu.memory_space<vmem>>) target(%dma_start3A_64 : memref<640x16xf32, #tpu.memory_space<vmem_shared>>) target_semaphore(%run_scoped3A : memref<!tpu.dma_semaphore, #tpu.memory_space<semaphore_mem>>)
      %dma_wait3A_65 = arith.constant 0 : i32
      %dma_wait3A_66 = tpu.memref_slice %arg4[%mul3A_8, %dma_wait3A_65] : memref<10240x16xf32, #tpu.memory_space<vmem_shared>> -> memref<640x16xf32, #tpu.memory_space<vmem_shared>>
      %dma_wait3A_67 = arith.constant 0 : i32
      %dma_wait3A_68 = tpu.memref_slice %arg4[%mul3A_8, %dma_wait3A_67] : memref<10240x16xf32, #tpu.memory_space<vmem_shared>> -> memref<640x16xf32, #tpu.memory_space<vmem_shared>>
      tpu.wait_dma2 semaphore(%run_scoped3A : memref<!tpu.dma_semaphore, #tpu.memory_space<semaphore_mem>>) src(%arg7 : memref<640x16xf32, #tpu.memory_space<vmem>>) dst(%dma_wait3A_68 : memref<640x16xf32, #tpu.memory_space<vmem_shared>>)
      tpu.yield
    }) : () -> ()
    %mul3A_9 = arith.constant 10000 : i32
    %mul3A_10 = arith.muli %add3A, %mul3A_9 : i32
    "tpu.region"() ({
      %run_scoped3A = tpu.sem_alloc : memref<!tpu.dma_semaphore, #tpu.memory_space<semaphore_mem>>
      %dma_start3A = tpu.memref_slice %arg2[%mul3A_10] : memref<320000xi32, #tpu.memory_space<hbm>> -> memref<10000xi32, #tpu.memory_space<hbm>>
      %dma_start3A_62 = tpu.memref_slice %arg2[%mul3A_10] : memref<320000xi32, #tpu.memory_space<hbm>> -> memref<10000xi32, #tpu.memory_space<hbm>>
      tpu.enqueue_dma source(%dma_start3A_62 : memref<10000xi32, #tpu.memory_space<hbm>>) target(%arg5 : memref<10000xi32, #tpu.memory_space<vmem>>) target_semaphore(%run_scoped3A : memref<!tpu.dma_semaphore, #tpu.memory_space<semaphore_mem>>)
      %dma_wait3A_63 = tpu.memref_slice %arg2[%mul3A_10] : memref<320000xi32, #tpu.memory_space<hbm>> -> memref<10000xi32, #tpu.memory_space<hbm>>
      %dma_wait3A_64 = tpu.memref_slice %arg2[%mul3A_10] : memref<320000xi32, #tpu.memory_space<hbm>> -> memref<10000xi32, #tpu.memory_space<hbm>>
      tpu.wait_dma2 semaphore(%run_scoped3A : memref<!tpu.dma_semaphore, #tpu.memory_space<semaphore_mem>>) src(%dma_wait3A_64 : memref<10000xi32, #tpu.memory_space<hbm>>) dst(%arg5 : memref<10000xi32, #tpu.memory_space<vmem>>)
      tpu.yield
    }) : () -> ()
    %barrier3A = arith.constant 0 : index
    tpu.barrier barrier_id(%barrier3A)
    %scan3A_11 = arith.constant 0 : i32
    %scan3A_12 = arith.constant 0 : i32
    %scan3A_13 = arith.constant 125 : i32
    %scan3A_14 = arith.addi %scan3A_12, %scan3A_13 : i32
    %scan3A_15 = arith.constant 1 : i32
    %scan3A_16 = scf.for %scan3A_62 = %scan3A_12 to %scan3A_14 step %scan3A_15 iter_args(%scan3A_63 = %scan3A_11) -> (i32)  : i32 {
      %mul3A_64 = arith.constant 80 : i32
      %mul3A_65 = arith.muli %scan3A_62, %mul3A_64 : i32
      %dma_start3A = tpu.memref_slice %arg5[%mul3A_65] : memref<10000xi32, #tpu.memory_space<vmem>> -> memref<80xi32, #tpu.memory_space<vmem>>
      %dma_start3A_66 = arith.constant 0 : i32
      %dma_start3A_67 = arith.constant 0 : i32
      %dma_start3A_68 = tpu.memref_slice %arg4[%dma_start3A_66, %dma_start3A_67] : memref<10240x16xf32, #tpu.memory_space<vmem_shared>> -> memref<10240x16xf32, #tpu.memory_space<vmem_shared>>
      tpu.enqueue_indirect_dma source(%arg6 : memref<80x16xf32, #tpu.memory_space<vmem>>) target(%dma_start3A_68 : memref<10240x16xf32, #tpu.memory_space<vmem_shared>>) offsets(%dma_start3A : memref<80xi32, #tpu.memory_space<vmem>>) semaphore(%arg8 : memref<!tpu.dma_semaphore, #tpu.memory_space<semaphore_mem>>) {add = true}
      %ge3A = arith.constant 8 : i32
      %ge3A_69 = arith.cmpi sge, %scan3A_62, %ge3A : i32
      %convert_element_type3A = arith.extui %ge3A_69 : i1 to i32
      %cond3A = arith.constant 0 : i32
      %cond3A_70 = arith.cmpi ne, %convert_element_type3A, %cond3A : i32
      scf.if %cond3A_70 {
        %sub3A = arith.constant 8 : i32
        %sub3A_72 = arith.subi %scan3A_62, %sub3A : i32
        %mul3A_73 = arith.constant 80 : i32
        %mul3A_74 = arith.muli %sub3A_72, %mul3A_73 : i32
        %dma_wait3A_75 = tpu.memref_slice %arg5[%mul3A_74] : memref<10000xi32, #tpu.memory_space<vmem>> -> memref<80xi32, #tpu.memory_space<vmem>>
        %dma_wait3A_76 = arith.constant 0 : i32
        %dma_wait3A_77 = arith.constant 0 : i32
        %dma_wait3A_78 = tpu.memref_slice %arg4[%dma_wait3A_76, %dma_wait3A_77] : memref<10240x16xf32, #tpu.memory_space<vmem_shared>> -> memref<10240x16xf32, #tpu.memory_space<vmem_shared>>
        tpu.wait_indirect_dma semaphore(%arg8 : memref<!tpu.dma_semaphore, #tpu.memory_space<semaphore_mem>>) src(%arg6 : memref<80x16xf32, #tpu.memory_space<vmem>>) dst(%dma_wait3A_78 : memref<10240x16xf32, #tpu.memory_space<vmem_shared>>)
      } else {
      }
      %scan3A_71 = arith.constant 0 : i32
      scf.yield %scan3A_71 : i32
    }
    %scan3A_17 = arith.constant 125 : i32
    %dma_wait3A = arith.constant 9360 : i32
    %dma_wait3A_18 = tpu.memref_slice %arg5[%dma_wait3A] : memref<10000xi32, #tpu.memory_space<vmem>> -> memref<80xi32, #tpu.memory_space<vmem>>
    %dma_wait3A_19 = arith.constant 0 : i32
    %dma_wait3A_20 = arith.constant 0 : i32
    %dma_wait3A_21 = tpu.memref_slice %arg4[%dma_wait3A_19, %dma_wait3A_20] : memref<10240x16xf32, #tpu.memory_space<vmem_shared>> -> memref<10240x16xf32, #tpu.memory_space<vmem_shared>>
    tpu.wait_indirect_dma semaphore(%arg8 : memref<!tpu.dma_semaphore, #tpu.memory_space<semaphore_mem>>) src(%arg6 : memref<80x16xf32, #tpu.memory_space<vmem>>) dst(%dma_wait3A_21 : memref<10240x16xf32, #tpu.memory_space<vmem_shared>>)
    %dma_wait3A_22 = arith.constant 9440 : i32
    %dma_wait3A_23 = tpu.memref_slice %arg5[%dma_wait3A_22] : memref<10000xi32, #tpu.memory_space<vmem>> -> memref<80xi32, #tpu.memory_space<vmem>>
    %dma_wait3A_24 = arith.constant 0 : i32
    %dma_wait3A_25 = arith.constant 0 : i32
    %dma_wait3A_26 = tpu.memref_slice %arg4[%dma_wait3A_24, %dma_wait3A_25] : memref<10240x16xf32, #tpu.memory_space<vmem_shared>> -> memref<10240x16xf32, #tpu.memory_space<vmem_shared>>
    tpu.wait_indirect_dma semaphore(%arg8 : memref<!tpu.dma_semaphore, #tpu.memory_space<semaphore_mem>>) src(%arg6 : memref<80x16xf32, #tpu.memory_space<vmem>>) dst(%dma_wait3A_26 : memref<10240x16xf32, #tpu.memory_space<vmem_shared>>)
    %dma_wait3A_27 = arith.constant 9520 : i32
    %dma_wait3A_28 = tpu.memref_slice %arg5[%dma_wait3A_27] : memref<10000xi32, #tpu.memory_space<vmem>> -> memref<80xi32, #tpu.memory_space<vmem>>
    %dma_wait3A_29 = arith.constant 0 : i32
    %dma_wait3A_30 = arith.constant 0 : i32
    %dma_wait3A_31 = tpu.memref_slice %arg4[%dma_wait3A_29, %dma_wait3A_30] : memref<10240x16xf32, #tpu.memory_space<vmem_shared>> -> memref<10240x16xf32, #tpu.memory_space<vmem_shared>>
    tpu.wait_indirect_dma semaphore(%arg8 : memref<!tpu.dma_semaphore, #tpu.memory_space<semaphore_mem>>) src(%arg6 : memref<80x16xf32, #tpu.memory_space<vmem>>) dst(%dma_wait3A_31 : memref<10240x16xf32, #tpu.memory_space<vmem_shared>>)
    %dma_wait3A_32 = arith.constant 9600 : i32
    %dma_wait3A_33 = tpu.memref_slice %arg5[%dma_wait3A_32] : memref<10000xi32, #tpu.memory_space<vmem>> -> memref<80xi32, #tpu.memory_space<vmem>>
    %dma_wait3A_34 = arith.constant 0 : i32
    %dma_wait3A_35 = arith.constant 0 : i32
    %dma_wait3A_36 = tpu.memref_slice %arg4[%dma_wait3A_34, %dma_wait3A_35] : memref<10240x16xf32, #tpu.memory_space<vmem_shared>> -> memref<10240x16xf32, #tpu.memory_space<vmem_shared>>
    tpu.wait_indirect_dma semaphore(%arg8 : memref<!tpu.dma_semaphore, #tpu.memory_space<semaphore_mem>>) src(%arg6 : memref<80x16xf32, #tpu.memory_space<vmem>>) dst(%dma_wait3A_36 : memref<10240x16xf32, #tpu.memory_space<vmem_shared>>)
    %dma_wait3A_37 = arith.constant 9680 : i32
    %dma_wait3A_38 = tpu.memref_slice %arg5[%dma_wait3A_37] : memref<10000xi32, #tpu.memory_space<vmem>> -> memref<80xi32, #tpu.memory_space<vmem>>
    %dma_wait3A_39 = arith.constant 0 : i32
    %dma_wait3A_40 = arith.constant 0 : i32
    %dma_wait3A_41 = tpu.memref_slice %arg4[%dma_wait3A_39, %dma_wait3A_40] : memref<10240x16xf32, #tpu.memory_space<vmem_shared>> -> memref<10240x16xf32, #tpu.memory_space<vmem_shared>>
    tpu.wait_indirect_dma semaphore(%arg8 : memref<!tpu.dma_semaphore, #tpu.memory_space<semaphore_mem>>) src(%arg6 : memref<80x16xf32, #tpu.memory_space<vmem>>) dst(%dma_wait3A_41 : memref<10240x16xf32, #tpu.memory_space<vmem_shared>>)
    %dma_wait3A_42 = arith.constant 9760 : i32
    %dma_wait3A_43 = tpu.memref_slice %arg5[%dma_wait3A_42] : memref<10000xi32, #tpu.memory_space<vmem>> -> memref<80xi32, #tpu.memory_space<vmem>>
    %dma_wait3A_44 = arith.constant 0 : i32
    %dma_wait3A_45 = arith.constant 0 : i32
    %dma_wait3A_46 = tpu.memref_slice %arg4[%dma_wait3A_44, %dma_wait3A_45] : memref<10240x16xf32, #tpu.memory_space<vmem_shared>> -> memref<10240x16xf32, #tpu.memory_space<vmem_shared>>
    tpu.wait_indirect_dma semaphore(%arg8 : memref<!tpu.dma_semaphore, #tpu.memory_space<semaphore_mem>>) src(%arg6 : memref<80x16xf32, #tpu.memory_space<vmem>>) dst(%dma_wait3A_46 : memref<10240x16xf32, #tpu.memory_space<vmem_shared>>)
    %dma_wait3A_47 = arith.constant 9840 : i32
    %dma_wait3A_48 = tpu.memref_slice %arg5[%dma_wait3A_47] : memref<10000xi32, #tpu.memory_space<vmem>> -> memref<80xi32, #tpu.memory_space<vmem>>
    %dma_wait3A_49 = arith.constant 0 : i32
    %dma_wait3A_50 = arith.constant 0 : i32
    %dma_wait3A_51 = tpu.memref_slice %arg4[%dma_wait3A_49, %dma_wait3A_50] : memref<10240x16xf32, #tpu.memory_space<vmem_shared>> -> memref<10240x16xf32, #tpu.memory_space<vmem_shared>>
    tpu.wait_indirect_dma semaphore(%arg8 : memref<!tpu.dma_semaphore, #tpu.memory_space<semaphore_mem>>) src(%arg6 : memref<80x16xf32, #tpu.memory_space<vmem>>) dst(%dma_wait3A_51 : memref<10240x16xf32, #tpu.memory_space<vmem_shared>>)
    %dma_wait3A_52 = arith.constant 9920 : i32
    %dma_wait3A_53 = tpu.memref_slice %arg5[%dma_wait3A_52] : memref<10000xi32, #tpu.memory_space<vmem>> -> memref<80xi32, #tpu.memory_space<vmem>>
    %dma_wait3A_54 = arith.constant 0 : i32
    %dma_wait3A_55 = arith.constant 0 : i32
    %dma_wait3A_56 = tpu.memref_slice %arg4[%dma_wait3A_54, %dma_wait3A_55] : memref<10240x16xf32, #tpu.memory_space<vmem_shared>> -> memref<10240x16xf32, #tpu.memory_space<vmem_shared>>
    tpu.wait_indirect_dma semaphore(%arg8 : memref<!tpu.dma_semaphore, #tpu.memory_space<semaphore_mem>>) src(%arg6 : memref<80x16xf32, #tpu.memory_space<vmem>>) dst(%dma_wait3A_56 : memref<10240x16xf32, #tpu.memory_space<vmem_shared>>)
    %barrier3A_57 = arith.constant 0 : index
    tpu.barrier barrier_id(%barrier3A_57)
    %mul3A_58 = arith.constant 640 : i32
    %mul3A_59 = arith.muli %arg1, %mul3A_58 : i32
    %mul3A_60 = arith.constant 640 : i32
    %mul3A_61 = arith.muli %arg1, %mul3A_60 : i32
    "tpu.region"() ({
      %run_scoped3A = tpu.sem_alloc : memref<!tpu.dma_semaphore, #tpu.memory_space<semaphore_mem>>
      %dma_start3A = arith.constant 0 : i32
      %dma_start3A_62 = tpu.memref_slice %arg3[%arg0, %mul3A_61, %dma_start3A] : memref<2x10240x16xf32, #tpu.memory_space<hbm>> -> memref<1x640x16xf32, #tpu.memory_space<hbm>>
      %dma_start3A_63 = tpu.memref_squeeze %dma_start3A_62 : memref<1x640x16xf32, #tpu.memory_space<hbm>> -> memref<640x16xf32, #tpu.memory_space<hbm>>
      %dma_start3A_64 = arith.constant 0 : i32
      %dma_start3A_65 = tpu.memref_slice %arg4[%mul3A_59, %dma_start3A_64] : memref<10240x16xf32, #tpu.memory_space<vmem_shared>> -> memref<640x16xf32, #tpu.memory_space<vmem_shared>>
      tpu.enqueue_dma source(%dma_start3A_65 : memref<640x16xf32, #tpu.memory_space<vmem_shared>>) target(%dma_start3A_63 : memref<640x16xf32, #tpu.memory_space<hbm>>) target_semaphore(%run_scoped3A : memref<!tpu.dma_semaphore, #tpu.memory_space<semaphore_mem>>)
      %dma_wait3A_66 = arith.constant 0 : i32
      %dma_wait3A_67 = tpu.memref_slice %arg3[%arg0, %mul3A_61, %dma_wait3A_66] : memref<2x10240x16xf32, #tpu.memory_space<hbm>> -> memref<1x640x16xf32, #tpu.memory_space<hbm>>
      %dma_wait3A_68 = tpu.memref_squeeze %dma_wait3A_67 : memref<1x640x16xf32, #tpu.memory_space<hbm>> -> memref<640x16xf32, #tpu.memory_space<hbm>>
      %dma_wait3A_69 = arith.constant 0 : i32
      %dma_wait3A_70 = tpu.memref_slice %arg4[%mul3A_59, %dma_wait3A_69] : memref<10240x16xf32, #tpu.memory_space<vmem_shared>> -> memref<640x16xf32, #tpu.memory_space<vmem_shared>>
      tpu.wait_dma2 semaphore(%run_scoped3A : memref<!tpu.dma_semaphore, #tpu.memory_space<semaphore_mem>>) src(%dma_wait3A_70 : memref<640x16xf32, #tpu.memory_space<vmem_shared>>) dst(%dma_wait3A_68 : memref<640x16xf32, #tpu.memory_space<hbm>>)
      tpu.yield
    }) : () -> ()
    return
  }
}

#map = affine_map<(d0, d1) -> (0)>
#map1 = affine_map<(d0, d1) -> (0, 0)>
#map2 = affine_map<(d0, d1) -> (0, 0, 0)>
module attributes {stable_mosaic.version = 14 : i64} {
  func.func @_sc_aggregate(%arg0: i32, %arg1: i32, %arg2: memref<320000xi32, #tpu.memory_space<hbm>>, %arg3: memref<320000xi32, #tpu.memory_space<hbm>>, %arg4: memref<10000x128xf32, #tpu.memory_space<hbm>>, %arg5: memref<10000x128xf32, #tpu.memory_space<hbm>>, %arg6: memref<2x10000x128xf32, #tpu.memory_space<hbm>>, %arg7: memref<10000x128xf32, #tpu.memory_space<vmem_shared>>, %arg8: memref<10000xi32, #tpu.memory_space<vmem>>, %arg9: memref<10000xi32, #tpu.memory_space<vmem>>, %arg10: memref<80x128xf32, #tpu.memory_space<vmem>>, %arg11: memref<80x128xf32, #tpu.memory_space<vmem>>, %arg12: memref<80x128xf32, #tpu.memory_space<vmem>>, %arg13: memref<!tpu.dma_semaphore, #tpu.memory_space<semaphore_mem>>, %arg14: memref<!tpu.dma_semaphore, #tpu.memory_space<semaphore_mem>>, %arg15: memref<!tpu.dma_semaphore, #tpu.memory_space<semaphore_mem>>, %arg16: memref<!tpu.dma_semaphore, #tpu.memory_space<semaphore_mem>>, %arg17: memref<!tpu.dma_semaphore, #tpu.memory_space<semaphore_mem>>, %arg18: memref<!tpu.dma_semaphore, #tpu.memory_space<semaphore_mem>>, %arg19: memref<!tpu.dma_semaphore, #tpu.memory_space<semaphore_mem>>) attributes {dimension_semantics = [#tpu.dimension_semantics<core_parallel>, #tpu.dimension_semantics<subcore_parallel>], iteration_bounds = array<i64: 2, 16>, scalar_prefetch = 0 : i64, scratch_operands = 13 : i64, tpu.core_type = #tpu.core_type<sc_vector_subcore>, window_params = [{transform_indices = #map}, {transform_indices = #map}, {transform_indices = #map1}, {transform_indices = #map1}, {transform_indices = #map2}]} {
    %mul3A = arith.constant 16 : i32
    %mul3A_0 = arith.muli %arg0, %mul3A : i32
    %add3A = arith.addi %mul3A_0, %arg1 : i32
    %mul3A_1 = arith.constant 624 : i32
    %mul3A_2 = arith.muli %arg1, %mul3A_1 : i32
    %mul3A_3 = arith.constant 624 : i32
    %mul3A_4 = arith.muli %arg1, %mul3A_3 : i32
    %dma_start3A = arith.constant 0 : i32
    %dma_start3A_5 = tpu.memref_slice %arg7[%mul3A_4, %dma_start3A] : memref<10000x128xf32, #tpu.memory_space<vmem_shared>> -> memref<624x128xf32, #tpu.memory_space<vmem_shared>>
    %dma_start3A_6 = arith.constant 0 : i32
    %dma_start3A_7 = tpu.memref_slice %arg5[%mul3A_2, %dma_start3A_6] : memref<10000x128xf32, #tpu.memory_space<hbm>> -> memref<624x128xf32, #tpu.memory_space<hbm>>
    tpu.enqueue_dma source(%dma_start3A_7 : memref<624x128xf32, #tpu.memory_space<hbm>>) target(%dma_start3A_5 : memref<624x128xf32, #tpu.memory_space<vmem_shared>>) target_semaphore(%arg19 : memref<!tpu.dma_semaphore, #tpu.memory_space<semaphore_mem>>)
    %eq3A = arith.constant 0 : i32
    %eq3A_8 = arith.cmpi eq, %arg1, %eq3A : i32
    %convert_element_type3A = arith.extui %eq3A_8 : i1 to i32
    %cond3A = arith.constant 0 : i32
    %cond3A_9 = arith.cmpi ne, %convert_element_type3A, %cond3A : i32
    scf.if %cond3A_9 {
      %dma_start3A_118 = arith.constant 9984 : i32
      %dma_start3A_119 = arith.constant 0 : i32
      %dma_start3A_120 = tpu.memref_slice %arg7[%dma_start3A_118, %dma_start3A_119] : memref<10000x128xf32, #tpu.memory_space<vmem_shared>> -> memref<16x128xf32, #tpu.memory_space<vmem_shared>>
      %dma_start3A_121 = arith.constant 9984 : i32
      %dma_start3A_122 = arith.constant 0 : i32
      %dma_start3A_123 = tpu.memref_slice %arg5[%dma_start3A_121, %dma_start3A_122] : memref<10000x128xf32, #tpu.memory_space<hbm>> -> memref<16x128xf32, #tpu.memory_space<hbm>>
      tpu.enqueue_dma source(%dma_start3A_123 : memref<16x128xf32, #tpu.memory_space<hbm>>) target(%dma_start3A_120 : memref<16x128xf32, #tpu.memory_space<vmem_shared>>) target_semaphore(%arg19 : memref<!tpu.dma_semaphore, #tpu.memory_space<semaphore_mem>>)
    } else {
    }
    %mul3A_10 = arith.constant 10000 : i32
    %mul3A_11 = arith.muli %add3A, %mul3A_10 : i32
    %dma_start3A_12 = tpu.memref_slice %arg2[%mul3A_11] : memref<320000xi32, #tpu.memory_space<hbm>> -> memref<10000xi32, #tpu.memory_space<hbm>>
    %dma_start3A_13 = tpu.memref_slice %arg2[%mul3A_11] : memref<320000xi32, #tpu.memory_space<hbm>> -> memref<10000xi32, #tpu.memory_space<hbm>>
    tpu.enqueue_dma source(%dma_start3A_13 : memref<10000xi32, #tpu.memory_space<hbm>>) target(%arg8 : memref<10000xi32, #tpu.memory_space<vmem>>) target_semaphore(%arg13 : memref<!tpu.dma_semaphore, #tpu.memory_space<semaphore_mem>>)
    %mul3A_14 = arith.constant 10000 : i32
    %mul3A_15 = arith.muli %add3A, %mul3A_14 : i32
    %dma_start3A_16 = tpu.memref_slice %arg3[%mul3A_15] : memref<320000xi32, #tpu.memory_space<hbm>> -> memref<10000xi32, #tpu.memory_space<hbm>>
    %dma_start3A_17 = tpu.memref_slice %arg3[%mul3A_15] : memref<320000xi32, #tpu.memory_space<hbm>> -> memref<10000xi32, #tpu.memory_space<hbm>>
    tpu.enqueue_dma source(%dma_start3A_17 : memref<10000xi32, #tpu.memory_space<hbm>>) target(%arg9 : memref<10000xi32, #tpu.memory_space<vmem>>) target_semaphore(%arg14 : memref<!tpu.dma_semaphore, #tpu.memory_space<semaphore_mem>>)
    %mul3A_18 = arith.constant 624 : i32
    %mul3A_19 = arith.muli %arg1, %mul3A_18 : i32
    %mul3A_20 = arith.constant 624 : i32
    %mul3A_21 = arith.muli %arg1, %mul3A_20 : i32
    %dma_wait3A = arith.constant 0 : i32
    %dma_wait3A_22 = tpu.memref_slice %arg7[%mul3A_21, %dma_wait3A] : memref<10000x128xf32, #tpu.memory_space<vmem_shared>> -> memref<624x128xf32, #tpu.memory_space<vmem_shared>>
    %dma_wait3A_23 = arith.constant 0 : i32
    %dma_wait3A_24 = tpu.memref_slice %arg5[%mul3A_19, %dma_wait3A_23] : memref<10000x128xf32, #tpu.memory_space<hbm>> -> memref<624x128xf32, #tpu.memory_space<hbm>>
    tpu.wait_dma2 semaphore(%arg19 : memref<!tpu.dma_semaphore, #tpu.memory_space<semaphore_mem>>) src(%dma_wait3A_24 : memref<624x128xf32, #tpu.memory_space<hbm>>) dst(%dma_wait3A_22 : memref<624x128xf32, #tpu.memory_space<vmem_shared>>)
    %eq3A_25 = arith.constant 0 : i32
    %eq3A_26 = arith.cmpi eq, %arg1, %eq3A_25 : i32
    %convert_element_type3A_27 = arith.extui %eq3A_26 : i1 to i32
    %cond3A_28 = arith.constant 0 : i32
    %cond3A_29 = arith.cmpi ne, %convert_element_type3A_27, %cond3A_28 : i32
    scf.if %cond3A_29 {
      %dma_wait3A_118 = arith.constant 9984 : i32
      %dma_wait3A_119 = arith.constant 0 : i32
      %dma_wait3A_120 = tpu.memref_slice %arg7[%dma_wait3A_118, %dma_wait3A_119] : memref<10000x128xf32, #tpu.memory_space<vmem_shared>> -> memref<16x128xf32, #tpu.memory_space<vmem_shared>>
      %dma_wait3A_121 = arith.constant 9984 : i32
      %dma_wait3A_122 = arith.constant 0 : i32
      %dma_wait3A_123 = tpu.memref_slice %arg5[%dma_wait3A_121, %dma_wait3A_122] : memref<10000x128xf32, #tpu.memory_space<hbm>> -> memref<16x128xf32, #tpu.memory_space<hbm>>
      tpu.wait_dma2 semaphore(%arg19 : memref<!tpu.dma_semaphore, #tpu.memory_space<semaphore_mem>>) src(%dma_wait3A_123 : memref<16x128xf32, #tpu.memory_space<hbm>>) dst(%dma_wait3A_120 : memref<16x128xf32, #tpu.memory_space<vmem_shared>>)
    } else {
    }
    %mul3A_30 = arith.constant 10000 : i32
    %mul3A_31 = arith.muli %add3A, %mul3A_30 : i32
    %dma_wait3A_32 = tpu.memref_slice %arg2[%mul3A_31] : memref<320000xi32, #tpu.memory_space<hbm>> -> memref<10000xi32, #tpu.memory_space<hbm>>
    %dma_wait3A_33 = tpu.memref_slice %arg2[%mul3A_31] : memref<320000xi32, #tpu.memory_space<hbm>> -> memref<10000xi32, #tpu.memory_space<hbm>>
    tpu.wait_dma2 semaphore(%arg13 : memref<!tpu.dma_semaphore, #tpu.memory_space<semaphore_mem>>) src(%dma_wait3A_33 : memref<10000xi32, #tpu.memory_space<hbm>>) dst(%arg8 : memref<10000xi32, #tpu.memory_space<vmem>>)
    %mul3A_34 = arith.constant 10000 : i32
    %mul3A_35 = arith.muli %add3A, %mul3A_34 : i32
    %dma_wait3A_36 = tpu.memref_slice %arg3[%mul3A_35] : memref<320000xi32, #tpu.memory_space<hbm>> -> memref<10000xi32, #tpu.memory_space<hbm>>
    %dma_wait3A_37 = tpu.memref_slice %arg3[%mul3A_35] : memref<320000xi32, #tpu.memory_space<hbm>> -> memref<10000xi32, #tpu.memory_space<hbm>>
    tpu.wait_dma2 semaphore(%arg14 : memref<!tpu.dma_semaphore, #tpu.memory_space<semaphore_mem>>) src(%dma_wait3A_37 : memref<10000xi32, #tpu.memory_space<hbm>>) dst(%arg9 : memref<10000xi32, #tpu.memory_space<vmem>>)
    %barrier3A = arith.constant 0 : index
    tpu.barrier barrier_id(%barrier3A)
    %dma_start3A_38 = arith.constant 0 : i32
    %dma_start3A_39 = tpu.memref_slice %arg8[%dma_start3A_38] : memref<10000xi32, #tpu.memory_space<vmem>> -> memref<80xi32, #tpu.memory_space<vmem>>
    %dma_start3A_40 = arith.constant 0 : i32
    %dma_start3A_41 = arith.constant 0 : i32
    %dma_start3A_42 = tpu.memref_slice %arg4[%dma_start3A_40, %dma_start3A_41] : memref<10000x128xf32, #tpu.memory_space<hbm>> -> memref<10000x128xf32, #tpu.memory_space<hbm>>
    tpu.enqueue_indirect_dma source(%dma_start3A_42 : memref<10000x128xf32, #tpu.memory_space<hbm>>) target(%arg10 : memref<80x128xf32, #tpu.memory_space<vmem>>) offsets(%dma_start3A_39 : memref<80xi32, #tpu.memory_space<vmem>>) semaphore(%arg13 : memref<!tpu.dma_semaphore, #tpu.memory_space<semaphore_mem>>)
    %dma_start3A_43 = arith.constant 80 : i32
    %dma_start3A_44 = tpu.memref_slice %arg8[%dma_start3A_43] : memref<10000xi32, #tpu.memory_space<vmem>> -> memref<80xi32, #tpu.memory_space<vmem>>
    %dma_start3A_45 = arith.constant 0 : i32
    %dma_start3A_46 = arith.constant 0 : i32
    %dma_start3A_47 = tpu.memref_slice %arg4[%dma_start3A_45, %dma_start3A_46] : memref<10000x128xf32, #tpu.memory_space<hbm>> -> memref<10000x128xf32, #tpu.memory_space<hbm>>
    tpu.enqueue_indirect_dma source(%dma_start3A_47 : memref<10000x128xf32, #tpu.memory_space<hbm>>) target(%arg11 : memref<80x128xf32, #tpu.memory_space<vmem>>) offsets(%dma_start3A_44 : memref<80xi32, #tpu.memory_space<vmem>>) semaphore(%arg14 : memref<!tpu.dma_semaphore, #tpu.memory_space<semaphore_mem>>)
    %dma_wait3A_48 = arith.constant 0 : i32
    %dma_wait3A_49 = tpu.memref_slice %arg8[%dma_wait3A_48] : memref<10000xi32, #tpu.memory_space<vmem>> -> memref<80xi32, #tpu.memory_space<vmem>>
    %dma_wait3A_50 = arith.constant 0 : i32
    %dma_wait3A_51 = arith.constant 0 : i32
    %dma_wait3A_52 = tpu.memref_slice %arg4[%dma_wait3A_50, %dma_wait3A_51] : memref<10000x128xf32, #tpu.memory_space<hbm>> -> memref<10000x128xf32, #tpu.memory_space<hbm>>
    tpu.wait_indirect_dma semaphore(%arg13 : memref<!tpu.dma_semaphore, #tpu.memory_space<semaphore_mem>>) src(%dma_wait3A_52 : memref<10000x128xf32, #tpu.memory_space<hbm>>) dst(%arg10 : memref<80x128xf32, #tpu.memory_space<vmem>>)
    %dma_start3A_53 = arith.constant 0 : i32
    %dma_start3A_54 = tpu.memref_slice %arg9[%dma_start3A_53] : memref<10000xi32, #tpu.memory_space<vmem>> -> memref<80xi32, #tpu.memory_space<vmem>>
    %dma_start3A_55 = arith.constant 0 : i32
    %dma_start3A_56 = arith.constant 0 : i32
    %dma_start3A_57 = tpu.memref_slice %arg7[%dma_start3A_55, %dma_start3A_56] : memref<10000x128xf32, #tpu.memory_space<vmem_shared>> -> memref<10000x128xf32, #tpu.memory_space<vmem_shared>>
    tpu.enqueue_indirect_dma source(%arg10 : memref<80x128xf32, #tpu.memory_space<vmem>>) target(%dma_start3A_57 : memref<10000x128xf32, #tpu.memory_space<vmem_shared>>) offsets(%dma_start3A_54 : memref<80xi32, #tpu.memory_space<vmem>>) semaphore(%arg16 : memref<!tpu.dma_semaphore, #tpu.memory_space<semaphore_mem>>) {add = true}
    %dma_start3A_58 = arith.constant 160 : i32
    %dma_start3A_59 = tpu.memref_slice %arg8[%dma_start3A_58] : memref<10000xi32, #tpu.memory_space<vmem>> -> memref<80xi32, #tpu.memory_space<vmem>>
    %dma_start3A_60 = arith.constant 0 : i32
    %dma_start3A_61 = arith.constant 0 : i32
    %dma_start3A_62 = tpu.memref_slice %arg4[%dma_start3A_60, %dma_start3A_61] : memref<10000x128xf32, #tpu.memory_space<hbm>> -> memref<10000x128xf32, #tpu.memory_space<hbm>>
    tpu.enqueue_indirect_dma source(%dma_start3A_62 : memref<10000x128xf32, #tpu.memory_space<hbm>>) target(%arg12 : memref<80x128xf32, #tpu.memory_space<vmem>>) offsets(%dma_start3A_59 : memref<80xi32, #tpu.memory_space<vmem>>) semaphore(%arg15 : memref<!tpu.dma_semaphore, #tpu.memory_space<semaphore_mem>>)
    %dma_wait3A_63 = arith.constant 80 : i32
    %dma_wait3A_64 = tpu.memref_slice %arg8[%dma_wait3A_63] : memref<10000xi32, #tpu.memory_space<vmem>> -> memref<80xi32, #tpu.memory_space<vmem>>
    %dma_wait3A_65 = arith.constant 0 : i32
    %dma_wait3A_66 = arith.constant 0 : i32
    %dma_wait3A_67 = tpu.memref_slice %arg4[%dma_wait3A_65, %dma_wait3A_66] : memref<10000x128xf32, #tpu.memory_space<hbm>> -> memref<10000x128xf32, #tpu.memory_space<hbm>>
    tpu.wait_indirect_dma semaphore(%arg14 : memref<!tpu.dma_semaphore, #tpu.memory_space<semaphore_mem>>) src(%dma_wait3A_67 : memref<10000x128xf32, #tpu.memory_space<hbm>>) dst(%arg11 : memref<80x128xf32, #tpu.memory_space<vmem>>)
    %dma_start3A_68 = arith.constant 80 : i32
    %dma_start3A_69 = tpu.memref_slice %arg9[%dma_start3A_68] : memref<10000xi32, #tpu.memory_space<vmem>> -> memref<80xi32, #tpu.memory_space<vmem>>
    %dma_start3A_70 = arith.constant 0 : i32
    %dma_start3A_71 = arith.constant 0 : i32
    %dma_start3A_72 = tpu.memref_slice %arg7[%dma_start3A_70, %dma_start3A_71] : memref<10000x128xf32, #tpu.memory_space<vmem_shared>> -> memref<10000x128xf32, #tpu.memory_space<vmem_shared>>
    tpu.enqueue_indirect_dma source(%arg11 : memref<80x128xf32, #tpu.memory_space<vmem>>) target(%dma_start3A_72 : memref<10000x128xf32, #tpu.memory_space<vmem_shared>>) offsets(%dma_start3A_69 : memref<80xi32, #tpu.memory_space<vmem>>) semaphore(%arg17 : memref<!tpu.dma_semaphore, #tpu.memory_space<semaphore_mem>>) {add = true}
    %scan3A = arith.constant 0 : i32
    %scan3A_73 = arith.constant 0 : i32
    %scan3A_74 = arith.constant 41 : i32
    %scan3A_75 = arith.addi %scan3A_73, %scan3A_74 : i32
    %scan3A_76 = arith.constant 1 : i32
    %scan3A_77 = scf.for %scan3A_118 = %scan3A_73 to %scan3A_75 step %scan3A_76 iter_args(%scan3A_119 = %scan3A) -> (i32)  : i32 {
      %mul3A_120 = arith.constant 3 : i32
      %mul3A_121 = arith.muli %mul3A_120, %scan3A_118 : i32
      %add3A_122 = arith.constant 2 : i32
      %add3A_123 = arith.addi %mul3A_121, %add3A_122 : i32
      %add3A_124 = arith.constant 0 : i32
      %add3A_125 = arith.addi %add3A_123, %add3A_124 : i32
      %sub3A = arith.constant 2 : i32
      %sub3A_126 = arith.subi %add3A_125, %sub3A : i32
      %mul3A_127 = arith.constant 80 : i32
      %mul3A_128 = arith.muli %sub3A_126, %mul3A_127 : i32
      %dma_wait3A_129 = tpu.memref_slice %arg9[%mul3A_128] : memref<10000xi32, #tpu.memory_space<vmem>> -> memref<80xi32, #tpu.memory_space<vmem>>
      %dma_wait3A_130 = arith.constant 0 : i32
      %dma_wait3A_131 = arith.constant 0 : i32
      %dma_wait3A_132 = tpu.memref_slice %arg7[%dma_wait3A_130, %dma_wait3A_131] : memref<10000x128xf32, #tpu.memory_space<vmem_shared>> -> memref<10000x128xf32, #tpu.memory_space<vmem_shared>>
      tpu.wait_indirect_dma semaphore(%arg16 : memref<!tpu.dma_semaphore, #tpu.memory_space<semaphore_mem>>) src(%arg10 : memref<80x128xf32, #tpu.memory_space<vmem>>) dst(%dma_wait3A_132 : memref<10000x128xf32, #tpu.memory_space<vmem_shared>>)
      %add3A_133 = arith.constant 1 : i32
      %add3A_134 = arith.addi %add3A_125, %add3A_133 : i32
      %lt3A = arith.constant 125 : i32
      %lt3A_135 = arith.cmpi slt, %add3A_134, %lt3A : i32
      %convert_element_type3A_136 = arith.extui %lt3A_135 : i1 to i32
      %cond3A_137 = arith.constant 0 : i32
      %cond3A_138 = arith.cmpi ne, %convert_element_type3A_136, %cond3A_137 : i32
      scf.if %cond3A_138 {
        %add3A_218 = arith.constant 1 : i32
        %add3A_219 = arith.addi %add3A_125, %add3A_218 : i32
        %mul3A_220 = arith.constant 80 : i32
        %mul3A_221 = arith.muli %add3A_219, %mul3A_220 : i32
        %dma_start3A_222 = tpu.memref_slice %arg8[%mul3A_221] : memref<10000xi32, #tpu.memory_space<vmem>> -> memref<80xi32, #tpu.memory_space<vmem>>
        %dma_start3A_223 = arith.constant 0 : i32
        %dma_start3A_224 = arith.constant 0 : i32
        %dma_start3A_225 = tpu.memref_slice %arg4[%dma_start3A_223, %dma_start3A_224] : memref<10000x128xf32, #tpu.memory_space<hbm>> -> memref<10000x128xf32, #tpu.memory_space<hbm>>
        tpu.enqueue_indirect_dma source(%dma_start3A_225 : memref<10000x128xf32, #tpu.memory_space<hbm>>) target(%arg10 : memref<80x128xf32, #tpu.memory_space<vmem>>) offsets(%dma_start3A_222 : memref<80xi32, #tpu.memory_space<vmem>>) semaphore(%arg13 : memref<!tpu.dma_semaphore, #tpu.memory_space<semaphore_mem>>)
      } else {
      }
      %mul3A_139 = arith.constant 80 : i32
      %mul3A_140 = arith.muli %add3A_125, %mul3A_139 : i32
      %dma_wait3A_141 = tpu.memref_slice %arg8[%mul3A_140] : memref<10000xi32, #tpu.memory_space<vmem>> -> memref<80xi32, #tpu.memory_space<vmem>>
      %dma_wait3A_142 = arith.constant 0 : i32
      %dma_wait3A_143 = arith.constant 0 : i32
      %dma_wait3A_144 = tpu.memref_slice %arg4[%dma_wait3A_142, %dma_wait3A_143] : memref<10000x128xf32, #tpu.memory_space<hbm>> -> memref<10000x128xf32, #tpu.memory_space<hbm>>
      tpu.wait_indirect_dma semaphore(%arg15 : memref<!tpu.dma_semaphore, #tpu.memory_space<semaphore_mem>>) src(%dma_wait3A_144 : memref<10000x128xf32, #tpu.memory_space<hbm>>) dst(%arg12 : memref<80x128xf32, #tpu.memory_space<vmem>>)
      %mul3A_145 = arith.constant 80 : i32
      %mul3A_146 = arith.muli %add3A_125, %mul3A_145 : i32
      %dma_start3A_147 = tpu.memref_slice %arg9[%mul3A_146] : memref<10000xi32, #tpu.memory_space<vmem>> -> memref<80xi32, #tpu.memory_space<vmem>>
      %dma_start3A_148 = arith.constant 0 : i32
      %dma_start3A_149 = arith.constant 0 : i32
      %dma_start3A_150 = tpu.memref_slice %arg7[%dma_start3A_148, %dma_start3A_149] : memref<10000x128xf32, #tpu.memory_space<vmem_shared>> -> memref<10000x128xf32, #tpu.memory_space<vmem_shared>>
      tpu.enqueue_indirect_dma source(%arg12 : memref<80x128xf32, #tpu.memory_space<vmem>>) target(%dma_start3A_150 : memref<10000x128xf32, #tpu.memory_space<vmem_shared>>) offsets(%dma_start3A_147 : memref<80xi32, #tpu.memory_space<vmem>>) semaphore(%arg18 : memref<!tpu.dma_semaphore, #tpu.memory_space<semaphore_mem>>) {add = true}
      %mul3A_151 = arith.constant 3 : i32
      %mul3A_152 = arith.muli %mul3A_151, %scan3A_118 : i32
      %add3A_153 = arith.constant 2 : i32
      %add3A_154 = arith.addi %mul3A_152, %add3A_153 : i32
      %add3A_155 = arith.constant 1 : i32
      %add3A_156 = arith.addi %add3A_154, %add3A_155 : i32
      %sub3A_157 = arith.constant 2 : i32
      %sub3A_158 = arith.subi %add3A_156, %sub3A_157 : i32
      %mul3A_159 = arith.constant 80 : i32
      %mul3A_160 = arith.muli %sub3A_158, %mul3A_159 : i32
      %dma_wait3A_161 = tpu.memref_slice %arg9[%mul3A_160] : memref<10000xi32, #tpu.memory_space<vmem>> -> memref<80xi32, #tpu.memory_space<vmem>>
      %dma_wait3A_162 = arith.constant 0 : i32
      %dma_wait3A_163 = arith.constant 0 : i32
      %dma_wait3A_164 = tpu.memref_slice %arg7[%dma_wait3A_162, %dma_wait3A_163] : memref<10000x128xf32, #tpu.memory_space<vmem_shared>> -> memref<10000x128xf32, #tpu.memory_space<vmem_shared>>
      tpu.wait_indirect_dma semaphore(%arg17 : memref<!tpu.dma_semaphore, #tpu.memory_space<semaphore_mem>>) src(%arg11 : memref<80x128xf32, #tpu.memory_space<vmem>>) dst(%dma_wait3A_164 : memref<10000x128xf32, #tpu.memory_space<vmem_shared>>)
      %add3A_165 = arith.constant 1 : i32
      %add3A_166 = arith.addi %add3A_156, %add3A_165 : i32
      %lt3A_167 = arith.constant 125 : i32
      %lt3A_168 = arith.cmpi slt, %add3A_166, %lt3A_167 : i32
      %convert_element_type3A_169 = arith.extui %lt3A_168 : i1 to i32
      %cond3A_170 = arith.constant 0 : i32
      %cond3A_171 = arith.cmpi ne, %convert_element_type3A_169, %cond3A_170 : i32
      scf.if %cond3A_171 {
        %add3A_218 = arith.constant 1 : i32
        %add3A_219 = arith.addi %add3A_156, %add3A_218 : i32
        %mul3A_220 = arith.constant 80 : i32
        %mul3A_221 = arith.muli %add3A_219, %mul3A_220 : i32
        %dma_start3A_222 = tpu.memref_slice %arg8[%mul3A_221] : memref<10000xi32, #tpu.memory_space<vmem>> -> memref<80xi32, #tpu.memory_space<vmem>>
        %dma_start3A_223 = arith.constant 0 : i32
        %dma_start3A_224 = arith.constant 0 : i32
        %dma_start3A_225 = tpu.memref_slice %arg4[%dma_start3A_223, %dma_start3A_224] : memref<10000x128xf32, #tpu.memory_space<hbm>> -> memref<10000x128xf32, #tpu.memory_space<hbm>>
        tpu.enqueue_indirect_dma source(%dma_start3A_225 : memref<10000x128xf32, #tpu.memory_space<hbm>>) target(%arg11 : memref<80x128xf32, #tpu.memory_space<vmem>>) offsets(%dma_start3A_222 : memref<80xi32, #tpu.memory_space<vmem>>) semaphore(%arg14 : memref<!tpu.dma_semaphore, #tpu.memory_space<semaphore_mem>>)
      } else {
      }
      %mul3A_172 = arith.constant 80 : i32
      %mul3A_173 = arith.muli %add3A_156, %mul3A_172 : i32
      %dma_wait3A_174 = tpu.memref_slice %arg8[%mul3A_173] : memref<10000xi32, #tpu.memory_space<vmem>> -> memref<80xi32, #tpu.memory_space<vmem>>
      %dma_wait3A_175 = arith.constant 0 : i32
      %dma_wait3A_176 = arith.constant 0 : i32
      %dma_wait3A_177 = tpu.memref_slice %arg4[%dma_wait3A_175, %dma_wait3A_176] : memref<10000x128xf32, #tpu.memory_space<hbm>> -> memref<10000x128xf32, #tpu.memory_space<hbm>>
      tpu.wait_indirect_dma semaphore(%arg13 : memref<!tpu.dma_semaphore, #tpu.memory_space<semaphore_mem>>) src(%dma_wait3A_177 : memref<10000x128xf32, #tpu.memory_space<hbm>>) dst(%arg10 : memref<80x128xf32, #tpu.memory_space<vmem>>)
      %mul3A_178 = arith.constant 80 : i32
      %mul3A_179 = arith.muli %add3A_156, %mul3A_178 : i32
      %dma_start3A_180 = tpu.memref_slice %arg9[%mul3A_179] : memref<10000xi32, #tpu.memory_space<vmem>> -> memref<80xi32, #tpu.memory_space<vmem>>
      %dma_start3A_181 = arith.constant 0 : i32
      %dma_start3A_182 = arith.constant 0 : i32
      %dma_start3A_183 = tpu.memref_slice %arg7[%dma_start3A_181, %dma_start3A_182] : memref<10000x128xf32, #tpu.memory_space<vmem_shared>> -> memref<10000x128xf32, #tpu.memory_space<vmem_shared>>
      tpu.enqueue_indirect_dma source(%arg10 : memref<80x128xf32, #tpu.memory_space<vmem>>) target(%dma_start3A_183 : memref<10000x128xf32, #tpu.memory_space<vmem_shared>>) offsets(%dma_start3A_180 : memref<80xi32, #tpu.memory_space<vmem>>) semaphore(%arg16 : memref<!tpu.dma_semaphore, #tpu.memory_space<semaphore_mem>>) {add = true}
      %mul3A_184 = arith.constant 3 : i32
      %mul3A_185 = arith.muli %mul3A_184, %scan3A_118 : i32
      %add3A_186 = arith.constant 2 : i32
      %add3A_187 = arith.addi %mul3A_185, %add3A_186 : i32
      %add3A_188 = arith.constant 2 : i32
      %add3A_189 = arith.addi %add3A_187, %add3A_188 : i32
      %sub3A_190 = arith.constant 2 : i32
      %sub3A_191 = arith.subi %add3A_189, %sub3A_190 : i32
      %mul3A_192 = arith.constant 80 : i32
      %mul3A_193 = arith.muli %sub3A_191, %mul3A_192 : i32
      %dma_wait3A_194 = tpu.memref_slice %arg9[%mul3A_193] : memref<10000xi32, #tpu.memory_space<vmem>> -> memref<80xi32, #tpu.memory_space<vmem>>
      %dma_wait3A_195 = arith.constant 0 : i32
      %dma_wait3A_196 = arith.constant 0 : i32
      %dma_wait3A_197 = tpu.memref_slice %arg7[%dma_wait3A_195, %dma_wait3A_196] : memref<10000x128xf32, #tpu.memory_space<vmem_shared>> -> memref<10000x128xf32, #tpu.memory_space<vmem_shared>>
      tpu.wait_indirect_dma semaphore(%arg18 : memref<!tpu.dma_semaphore, #tpu.memory_space<semaphore_mem>>) src(%arg12 : memref<80x128xf32, #tpu.memory_space<vmem>>) dst(%dma_wait3A_197 : memref<10000x128xf32, #tpu.memory_space<vmem_shared>>)
      %add3A_198 = arith.constant 1 : i32
      %add3A_199 = arith.addi %add3A_189, %add3A_198 : i32
      %lt3A_200 = arith.constant 125 : i32
      %lt3A_201 = arith.cmpi slt, %add3A_199, %lt3A_200 : i32
      %convert_element_type3A_202 = arith.extui %lt3A_201 : i1 to i32
      %cond3A_203 = arith.constant 0 : i32
      %cond3A_204 = arith.cmpi ne, %convert_element_type3A_202, %cond3A_203 : i32
      scf.if %cond3A_204 {
        %add3A_218 = arith.constant 1 : i32
        %add3A_219 = arith.addi %add3A_189, %add3A_218 : i32
        %mul3A_220 = arith.constant 80 : i32
        %mul3A_221 = arith.muli %add3A_219, %mul3A_220 : i32
        %dma_start3A_222 = tpu.memref_slice %arg8[%mul3A_221] : memref<10000xi32, #tpu.memory_space<vmem>> -> memref<80xi32, #tpu.memory_space<vmem>>
        %dma_start3A_223 = arith.constant 0 : i32
        %dma_start3A_224 = arith.constant 0 : i32
        %dma_start3A_225 = tpu.memref_slice %arg4[%dma_start3A_223, %dma_start3A_224] : memref<10000x128xf32, #tpu.memory_space<hbm>> -> memref<10000x128xf32, #tpu.memory_space<hbm>>
        tpu.enqueue_indirect_dma source(%dma_start3A_225 : memref<10000x128xf32, #tpu.memory_space<hbm>>) target(%arg12 : memref<80x128xf32, #tpu.memory_space<vmem>>) offsets(%dma_start3A_222 : memref<80xi32, #tpu.memory_space<vmem>>) semaphore(%arg15 : memref<!tpu.dma_semaphore, #tpu.memory_space<semaphore_mem>>)
      } else {
      }
      %mul3A_205 = arith.constant 80 : i32
      %mul3A_206 = arith.muli %add3A_189, %mul3A_205 : i32
      %dma_wait3A_207 = tpu.memref_slice %arg8[%mul3A_206] : memref<10000xi32, #tpu.memory_space<vmem>> -> memref<80xi32, #tpu.memory_space<vmem>>
      %dma_wait3A_208 = arith.constant 0 : i32
      %dma_wait3A_209 = arith.constant 0 : i32
      %dma_wait3A_210 = tpu.memref_slice %arg4[%dma_wait3A_208, %dma_wait3A_209] : memref<10000x128xf32, #tpu.memory_space<hbm>> -> memref<10000x128xf32, #tpu.memory_space<hbm>>
      tpu.wait_indirect_dma semaphore(%arg14 : memref<!tpu.dma_semaphore, #tpu.memory_space<semaphore_mem>>) src(%dma_wait3A_210 : memref<10000x128xf32, #tpu.memory_space<hbm>>) dst(%arg11 : memref<80x128xf32, #tpu.memory_space<vmem>>)
      %mul3A_211 = arith.constant 80 : i32
      %mul3A_212 = arith.muli %add3A_189, %mul3A_211 : i32
      %dma_start3A_213 = tpu.memref_slice %arg9[%mul3A_212] : memref<10000xi32, #tpu.memory_space<vmem>> -> memref<80xi32, #tpu.memory_space<vmem>>
      %dma_start3A_214 = arith.constant 0 : i32
      %dma_start3A_215 = arith.constant 0 : i32
      %dma_start3A_216 = tpu.memref_slice %arg7[%dma_start3A_214, %dma_start3A_215] : memref<10000x128xf32, #tpu.memory_space<vmem_shared>> -> memref<10000x128xf32, #tpu.memory_space<vmem_shared>>
      tpu.enqueue_indirect_dma source(%arg11 : memref<80x128xf32, #tpu.memory_space<vmem>>) target(%dma_start3A_216 : memref<10000x128xf32, #tpu.memory_space<vmem_shared>>) offsets(%dma_start3A_213 : memref<80xi32, #tpu.memory_space<vmem>>) semaphore(%arg17 : memref<!tpu.dma_semaphore, #tpu.memory_space<semaphore_mem>>) {add = true}
      %scan3A_217 = arith.constant 0 : i32
      scf.yield %scan3A_217 : i32
    }
    %scan3A_78 = arith.constant 41 : i32
    %dma_wait3A_79 = arith.constant 9840 : i32
    %dma_wait3A_80 = tpu.memref_slice %arg9[%dma_wait3A_79] : memref<10000xi32, #tpu.memory_space<vmem>> -> memref<80xi32, #tpu.memory_space<vmem>>
    %dma_wait3A_81 = arith.constant 0 : i32
    %dma_wait3A_82 = arith.constant 0 : i32
    %dma_wait3A_83 = tpu.memref_slice %arg7[%dma_wait3A_81, %dma_wait3A_82] : memref<10000x128xf32, #tpu.memory_space<vmem_shared>> -> memref<10000x128xf32, #tpu.memory_space<vmem_shared>>
    tpu.wait_indirect_dma semaphore(%arg16 : memref<!tpu.dma_semaphore, #tpu.memory_space<semaphore_mem>>) src(%arg10 : memref<80x128xf32, #tpu.memory_space<vmem>>) dst(%dma_wait3A_83 : memref<10000x128xf32, #tpu.memory_space<vmem_shared>>)
    %dma_wait3A_84 = arith.constant 9920 : i32
    %dma_wait3A_85 = tpu.memref_slice %arg9[%dma_wait3A_84] : memref<10000xi32, #tpu.memory_space<vmem>> -> memref<80xi32, #tpu.memory_space<vmem>>
    %dma_wait3A_86 = arith.constant 0 : i32
    %dma_wait3A_87 = arith.constant 0 : i32
    %dma_wait3A_88 = tpu.memref_slice %arg7[%dma_wait3A_86, %dma_wait3A_87] : memref<10000x128xf32, #tpu.memory_space<vmem_shared>> -> memref<10000x128xf32, #tpu.memory_space<vmem_shared>>
    tpu.wait_indirect_dma semaphore(%arg17 : memref<!tpu.dma_semaphore, #tpu.memory_space<semaphore_mem>>) src(%arg11 : memref<80x128xf32, #tpu.memory_space<vmem>>) dst(%dma_wait3A_88 : memref<10000x128xf32, #tpu.memory_space<vmem_shared>>)
    %barrier3A_89 = arith.constant 0 : index
    tpu.barrier barrier_id(%barrier3A_89)
    %mul3A_90 = arith.constant 624 : i32
    %mul3A_91 = arith.muli %arg1, %mul3A_90 : i32
    %mul3A_92 = arith.constant 624 : i32
    %mul3A_93 = arith.muli %arg1, %mul3A_92 : i32
    %dma_start3A_94 = arith.constant 0 : i32
    %dma_start3A_95 = tpu.memref_slice %arg6[%arg0, %mul3A_93, %dma_start3A_94] : memref<2x10000x128xf32, #tpu.memory_space<hbm>> -> memref<1x624x128xf32, #tpu.memory_space<hbm>>
    %dma_start3A_96 = tpu.memref_squeeze %dma_start3A_95 : memref<1x624x128xf32, #tpu.memory_space<hbm>> -> memref<624x128xf32, #tpu.memory_space<hbm>>
    %dma_start3A_97 = arith.constant 0 : i32
    %dma_start3A_98 = tpu.memref_slice %arg7[%mul3A_91, %dma_start3A_97] : memref<10000x128xf32, #tpu.memory_space<vmem_shared>> -> memref<624x128xf32, #tpu.memory_space<vmem_shared>>
    tpu.enqueue_dma source(%dma_start3A_98 : memref<624x128xf32, #tpu.memory_space<vmem_shared>>) target(%dma_start3A_96 : memref<624x128xf32, #tpu.memory_space<hbm>>) target_semaphore(%arg19 : memref<!tpu.dma_semaphore, #tpu.memory_space<semaphore_mem>>)
    %eq3A_99 = arith.constant 0 : i32
    %eq3A_100 = arith.cmpi eq, %arg1, %eq3A_99 : i32
    %convert_element_type3A_101 = arith.extui %eq3A_100 : i1 to i32
    %cond3A_102 = arith.constant 0 : i32
    %cond3A_103 = arith.cmpi ne, %convert_element_type3A_101, %cond3A_102 : i32
    scf.if %cond3A_103 {
      %dma_start3A_118 = arith.constant 9984 : i32
      %dma_start3A_119 = arith.constant 0 : i32
      %dma_start3A_120 = tpu.memref_slice %arg6[%arg0, %dma_start3A_118, %dma_start3A_119] : memref<2x10000x128xf32, #tpu.memory_space<hbm>> -> memref<1x16x128xf32, #tpu.memory_space<hbm>>
      %dma_start3A_121 = tpu.memref_squeeze %dma_start3A_120 : memref<1x16x128xf32, #tpu.memory_space<hbm>> -> memref<16x128xf32, #tpu.memory_space<hbm>>
      %dma_start3A_122 = arith.constant 9984 : i32
      %dma_start3A_123 = arith.constant 0 : i32
      %dma_start3A_124 = tpu.memref_slice %arg7[%dma_start3A_122, %dma_start3A_123] : memref<10000x128xf32, #tpu.memory_space<vmem_shared>> -> memref<16x128xf32, #tpu.memory_space<vmem_shared>>
      tpu.enqueue_dma source(%dma_start3A_124 : memref<16x128xf32, #tpu.memory_space<vmem_shared>>) target(%dma_start3A_121 : memref<16x128xf32, #tpu.memory_space<hbm>>) target_semaphore(%arg19 : memref<!tpu.dma_semaphore, #tpu.memory_space<semaphore_mem>>)
    } else {
    }
    %mul3A_104 = arith.constant 624 : i32
    %mul3A_105 = arith.muli %arg1, %mul3A_104 : i32
    %mul3A_106 = arith.constant 624 : i32
    %mul3A_107 = arith.muli %arg1, %mul3A_106 : i32
    %dma_wait3A_108 = arith.constant 0 : i32
    %dma_wait3A_109 = tpu.memref_slice %arg6[%arg0, %mul3A_107, %dma_wait3A_108] : memref<2x10000x128xf32, #tpu.memory_space<hbm>> -> memref<1x624x128xf32, #tpu.memory_space<hbm>>
    %dma_wait3A_110 = tpu.memref_squeeze %dma_wait3A_109 : memref<1x624x128xf32, #tpu.memory_space<hbm>> -> memref<624x128xf32, #tpu.memory_space<hbm>>
    %dma_wait3A_111 = arith.constant 0 : i32
    %dma_wait3A_112 = tpu.memref_slice %arg7[%mul3A_105, %dma_wait3A_111] : memref<10000x128xf32, #tpu.memory_space<vmem_shared>> -> memref<624x128xf32, #tpu.memory_space<vmem_shared>>
    tpu.wait_dma2 semaphore(%arg19 : memref<!tpu.dma_semaphore, #tpu.memory_space<semaphore_mem>>) src(%dma_wait3A_112 : memref<624x128xf32, #tpu.memory_space<vmem_shared>>) dst(%dma_wait3A_110 : memref<624x128xf32, #tpu.memory_space<hbm>>)
    %eq3A_113 = arith.constant 0 : i32
    %eq3A_114 = arith.cmpi eq, %arg1, %eq3A_113 : i32
    %convert_element_type3A_115 = arith.extui %eq3A_114 : i1 to i32
    %cond3A_116 = arith.constant 0 : i32
    %cond3A_117 = arith.cmpi ne, %convert_element_type3A_115, %cond3A_116 : i32
    scf.if %cond3A_117 {
      %dma_wait3A_118 = arith.constant 9984 : i32
      %dma_wait3A_119 = arith.constant 0 : i32
      %dma_wait3A_120 = tpu.memref_slice %arg6[%arg0, %dma_wait3A_118, %dma_wait3A_119] : memref<2x10000x128xf32, #tpu.memory_space<hbm>> -> memref<1x16x128xf32, #tpu.memory_space<hbm>>
      %dma_wait3A_121 = tpu.memref_squeeze %dma_wait3A_120 : memref<1x16x128xf32, #tpu.memory_space<hbm>> -> memref<16x128xf32, #tpu.memory_space<hbm>>
      %dma_wait3A_122 = arith.constant 9984 : i32
      %dma_wait3A_123 = arith.constant 0 : i32
      %dma_wait3A_124 = tpu.memref_slice %arg7[%dma_wait3A_122, %dma_wait3A_123] : memref<10000x128xf32, #tpu.memory_space<vmem_shared>> -> memref<16x128xf32, #tpu.memory_space<vmem_shared>>
      tpu.wait_dma2 semaphore(%arg19 : memref<!tpu.dma_semaphore, #tpu.memory_space<semaphore_mem>>) src(%dma_wait3A_124 : memref<16x128xf32, #tpu.memory_space<vmem_shared>>) dst(%dma_wait3A_121 : memref<16x128xf32, #tpu.memory_space<hbm>>)
    } else {
    }
    return
  }
}

#map = affine_map<(d0, d1) -> (0)>
#map1 = affine_map<(d0, d1) -> (0, 0)>
#map2 = affine_map<(d0, d1) -> (0, 0, 0)>
module attributes {stable_mosaic.version = 14 : i64} {
  func.func @_sc_aggregate(%arg0: i32, %arg1: i32, %arg2: memref<320000xi32, #tpu.memory_space<hbm>>, %arg3: memref<320000xi32, #tpu.memory_space<hbm>>, %arg4: memref<10000x128xf32, #tpu.memory_space<hbm>>, %arg5: memref<10000x128xf32, #tpu.memory_space<hbm>>, %arg6: memref<2x10000x128xf32, #tpu.memory_space<hbm>>, %arg7: memref<10000x128xf32, #tpu.memory_space<vmem_shared>>, %arg8: memref<10000xi32, #tpu.memory_space<vmem>>, %arg9: memref<10000xi32, #tpu.memory_space<vmem>>, %arg10: memref<80x128xf32, #tpu.memory_space<vmem>>, %arg11: memref<80x128xf32, #tpu.memory_space<vmem>>, %arg12: memref<80x128xf32, #tpu.memory_space<vmem>>, %arg13: memref<!tpu.dma_semaphore, #tpu.memory_space<semaphore_mem>>, %arg14: memref<!tpu.dma_semaphore, #tpu.memory_space<semaphore_mem>>, %arg15: memref<!tpu.dma_semaphore, #tpu.memory_space<semaphore_mem>>, %arg16: memref<!tpu.dma_semaphore, #tpu.memory_space<semaphore_mem>>, %arg17: memref<!tpu.dma_semaphore, #tpu.memory_space<semaphore_mem>>, %arg18: memref<!tpu.dma_semaphore, #tpu.memory_space<semaphore_mem>>, %arg19: memref<!tpu.dma_semaphore, #tpu.memory_space<semaphore_mem>>) attributes {dimension_semantics = [#tpu.dimension_semantics<core_parallel>, #tpu.dimension_semantics<subcore_parallel>], iteration_bounds = array<i64: 2, 16>, scalar_prefetch = 0 : i64, scratch_operands = 13 : i64, tpu.core_type = #tpu.core_type<sc_vector_subcore>, window_params = [{transform_indices = #map}, {transform_indices = #map}, {transform_indices = #map1}, {transform_indices = #map1}, {transform_indices = #map2}]} {
    %mul3A = arith.constant 16 : i32
    %mul3A_0 = arith.muli %arg0, %mul3A : i32
    %add3A = arith.addi %mul3A_0, %arg1 : i32
    %mul3A_1 = arith.constant 624 : i32
    %mul3A_2 = arith.muli %arg1, %mul3A_1 : i32
    %mul3A_3 = arith.constant 624 : i32
    %mul3A_4 = arith.muli %arg1, %mul3A_3 : i32
    %dma_start3A = arith.constant 0 : i32
    %dma_start3A_5 = tpu.memref_slice %arg7[%mul3A_4, %dma_start3A] : memref<10000x128xf32, #tpu.memory_space<vmem_shared>> -> memref<624x128xf32, #tpu.memory_space<vmem_shared>>
    %dma_start3A_6 = arith.constant 0 : i32
    %dma_start3A_7 = tpu.memref_slice %arg5[%mul3A_2, %dma_start3A_6] : memref<10000x128xf32, #tpu.memory_space<hbm>> -> memref<624x128xf32, #tpu.memory_space<hbm>>
    tpu.enqueue_dma source(%dma_start3A_7 : memref<624x128xf32, #tpu.memory_space<hbm>>) target(%dma_start3A_5 : memref<624x128xf32, #tpu.memory_space<vmem_shared>>) target_semaphore(%arg19 : memref<!tpu.dma_semaphore, #tpu.memory_space<semaphore_mem>>)
    %eq3A = arith.constant 0 : i32
    %eq3A_8 = arith.cmpi eq, %arg1, %eq3A : i32
    %convert_element_type3A = arith.extui %eq3A_8 : i1 to i32
    %cond3A = arith.constant 0 : i32
    %cond3A_9 = arith.cmpi ne, %convert_element_type3A, %cond3A : i32
    scf.if %cond3A_9 {
      %dma_start3A_118 = arith.constant 9984 : i32
      %dma_start3A_119 = arith.constant 0 : i32
      %dma_start3A_120 = tpu.memref_slice %arg7[%dma_start3A_118, %dma_start3A_119] : memref<10000x128xf32, #tpu.memory_space<vmem_shared>> -> memref<16x128xf32, #tpu.memory_space<vmem_shared>>
      %dma_start3A_121 = arith.constant 9984 : i32
      %dma_start3A_122 = arith.constant 0 : i32
      %dma_start3A_123 = tpu.memref_slice %arg5[%dma_start3A_121, %dma_start3A_122] : memref<10000x128xf32, #tpu.memory_space<hbm>> -> memref<16x128xf32, #tpu.memory_space<hbm>>
      tpu.enqueue_dma source(%dma_start3A_123 : memref<16x128xf32, #tpu.memory_space<hbm>>) target(%dma_start3A_120 : memref<16x128xf32, #tpu.memory_space<vmem_shared>>) target_semaphore(%arg19 : memref<!tpu.dma_semaphore, #tpu.memory_space<semaphore_mem>>)
    } else {
    }
    %mul3A_10 = arith.constant 10000 : i32
    %mul3A_11 = arith.muli %add3A, %mul3A_10 : i32
    %dma_start3A_12 = tpu.memref_slice %arg2[%mul3A_11] : memref<320000xi32, #tpu.memory_space<hbm>> -> memref<10000xi32, #tpu.memory_space<hbm>>
    %dma_start3A_13 = tpu.memref_slice %arg2[%mul3A_11] : memref<320000xi32, #tpu.memory_space<hbm>> -> memref<10000xi32, #tpu.memory_space<hbm>>
    tpu.enqueue_dma source(%dma_start3A_13 : memref<10000xi32, #tpu.memory_space<hbm>>) target(%arg8 : memref<10000xi32, #tpu.memory_space<vmem>>) target_semaphore(%arg13 : memref<!tpu.dma_semaphore, #tpu.memory_space<semaphore_mem>>)
    %mul3A_14 = arith.constant 10000 : i32
    %mul3A_15 = arith.muli %add3A, %mul3A_14 : i32
    %dma_start3A_16 = tpu.memref_slice %arg3[%mul3A_15] : memref<320000xi32, #tpu.memory_space<hbm>> -> memref<10000xi32, #tpu.memory_space<hbm>>
    %dma_start3A_17 = tpu.memref_slice %arg3[%mul3A_15] : memref<320000xi32, #tpu.memory_space<hbm>> -> memref<10000xi32, #tpu.memory_space<hbm>>
    tpu.enqueue_dma source(%dma_start3A_17 : memref<10000xi32, #tpu.memory_space<hbm>>) target(%arg9 : memref<10000xi32, #tpu.memory_space<vmem>>) target_semaphore(%arg14 : memref<!tpu.dma_semaphore, #tpu.memory_space<semaphore_mem>>)
    %mul3A_18 = arith.constant 624 : i32
    %mul3A_19 = arith.muli %arg1, %mul3A_18 : i32
    %mul3A_20 = arith.constant 624 : i32
    %mul3A_21 = arith.muli %arg1, %mul3A_20 : i32
    %dma_wait3A = arith.constant 0 : i32
    %dma_wait3A_22 = tpu.memref_slice %arg7[%mul3A_21, %dma_wait3A] : memref<10000x128xf32, #tpu.memory_space<vmem_shared>> -> memref<624x128xf32, #tpu.memory_space<vmem_shared>>
    %dma_wait3A_23 = arith.constant 0 : i32
    %dma_wait3A_24 = tpu.memref_slice %arg5[%mul3A_19, %dma_wait3A_23] : memref<10000x128xf32, #tpu.memory_space<hbm>> -> memref<624x128xf32, #tpu.memory_space<hbm>>
    tpu.wait_dma2 semaphore(%arg19 : memref<!tpu.dma_semaphore, #tpu.memory_space<semaphore_mem>>) src(%dma_wait3A_24 : memref<624x128xf32, #tpu.memory_space<hbm>>) dst(%dma_wait3A_22 : memref<624x128xf32, #tpu.memory_space<vmem_shared>>)
    %eq3A_25 = arith.constant 0 : i32
    %eq3A_26 = arith.cmpi eq, %arg1, %eq3A_25 : i32
    %convert_element_type3A_27 = arith.extui %eq3A_26 : i1 to i32
    %cond3A_28 = arith.constant 0 : i32
    %cond3A_29 = arith.cmpi ne, %convert_element_type3A_27, %cond3A_28 : i32
    scf.if %cond3A_29 {
      %dma_wait3A_118 = arith.constant 9984 : i32
      %dma_wait3A_119 = arith.constant 0 : i32
      %dma_wait3A_120 = tpu.memref_slice %arg7[%dma_wait3A_118, %dma_wait3A_119] : memref<10000x128xf32, #tpu.memory_space<vmem_shared>> -> memref<16x128xf32, #tpu.memory_space<vmem_shared>>
      %dma_wait3A_121 = arith.constant 9984 : i32
      %dma_wait3A_122 = arith.constant 0 : i32
      %dma_wait3A_123 = tpu.memref_slice %arg5[%dma_wait3A_121, %dma_wait3A_122] : memref<10000x128xf32, #tpu.memory_space<hbm>> -> memref<16x128xf32, #tpu.memory_space<hbm>>
      tpu.wait_dma2 semaphore(%arg19 : memref<!tpu.dma_semaphore, #tpu.memory_space<semaphore_mem>>) src(%dma_wait3A_123 : memref<16x128xf32, #tpu.memory_space<hbm>>) dst(%dma_wait3A_120 : memref<16x128xf32, #tpu.memory_space<vmem_shared>>)
    } else {
    }
    %mul3A_30 = arith.constant 10000 : i32
    %mul3A_31 = arith.muli %add3A, %mul3A_30 : i32
    %dma_wait3A_32 = tpu.memref_slice %arg2[%mul3A_31] : memref<320000xi32, #tpu.memory_space<hbm>> -> memref<10000xi32, #tpu.memory_space<hbm>>
    %dma_wait3A_33 = tpu.memref_slice %arg2[%mul3A_31] : memref<320000xi32, #tpu.memory_space<hbm>> -> memref<10000xi32, #tpu.memory_space<hbm>>
    tpu.wait_dma2 semaphore(%arg13 : memref<!tpu.dma_semaphore, #tpu.memory_space<semaphore_mem>>) src(%dma_wait3A_33 : memref<10000xi32, #tpu.memory_space<hbm>>) dst(%arg8 : memref<10000xi32, #tpu.memory_space<vmem>>)
    %mul3A_34 = arith.constant 10000 : i32
    %mul3A_35 = arith.muli %add3A, %mul3A_34 : i32
    %dma_wait3A_36 = tpu.memref_slice %arg3[%mul3A_35] : memref<320000xi32, #tpu.memory_space<hbm>> -> memref<10000xi32, #tpu.memory_space<hbm>>
    %dma_wait3A_37 = tpu.memref_slice %arg3[%mul3A_35] : memref<320000xi32, #tpu.memory_space<hbm>> -> memref<10000xi32, #tpu.memory_space<hbm>>
    tpu.wait_dma2 semaphore(%arg14 : memref<!tpu.dma_semaphore, #tpu.memory_space<semaphore_mem>>) src(%dma_wait3A_37 : memref<10000xi32, #tpu.memory_space<hbm>>) dst(%arg9 : memref<10000xi32, #tpu.memory_space<vmem>>)
    %barrier3A = arith.constant 0 : index
    tpu.barrier barrier_id(%barrier3A)
    %dma_start3A_38 = arith.constant 0 : i32
    %dma_start3A_39 = tpu.memref_slice %arg8[%dma_start3A_38] : memref<10000xi32, #tpu.memory_space<vmem>> -> memref<80xi32, #tpu.memory_space<vmem>>
    %dma_start3A_40 = arith.constant 0 : i32
    %dma_start3A_41 = arith.constant 0 : i32
    %dma_start3A_42 = tpu.memref_slice %arg4[%dma_start3A_40, %dma_start3A_41] : memref<10000x128xf32, #tpu.memory_space<hbm>> -> memref<10000x128xf32, #tpu.memory_space<hbm>>
    tpu.enqueue_indirect_dma source(%dma_start3A_42 : memref<10000x128xf32, #tpu.memory_space<hbm>>) target(%arg10 : memref<80x128xf32, #tpu.memory_space<vmem>>) offsets(%dma_start3A_39 : memref<80xi32, #tpu.memory_space<vmem>>) semaphore(%arg13 : memref<!tpu.dma_semaphore, #tpu.memory_space<semaphore_mem>>)
    %dma_start3A_43 = arith.constant 80 : i32
    %dma_start3A_44 = tpu.memref_slice %arg8[%dma_start3A_43] : memref<10000xi32, #tpu.memory_space<vmem>> -> memref<80xi32, #tpu.memory_space<vmem>>
    %dma_start3A_45 = arith.constant 0 : i32
    %dma_start3A_46 = arith.constant 0 : i32
    %dma_start3A_47 = tpu.memref_slice %arg4[%dma_start3A_45, %dma_start3A_46] : memref<10000x128xf32, #tpu.memory_space<hbm>> -> memref<10000x128xf32, #tpu.memory_space<hbm>>
    tpu.enqueue_indirect_dma source(%dma_start3A_47 : memref<10000x128xf32, #tpu.memory_space<hbm>>) target(%arg11 : memref<80x128xf32, #tpu.memory_space<vmem>>) offsets(%dma_start3A_44 : memref<80xi32, #tpu.memory_space<vmem>>) semaphore(%arg14 : memref<!tpu.dma_semaphore, #tpu.memory_space<semaphore_mem>>)
    %dma_wait3A_48 = arith.constant 0 : i32
    %dma_wait3A_49 = tpu.memref_slice %arg8[%dma_wait3A_48] : memref<10000xi32, #tpu.memory_space<vmem>> -> memref<80xi32, #tpu.memory_space<vmem>>
    %dma_wait3A_50 = arith.constant 0 : i32
    %dma_wait3A_51 = arith.constant 0 : i32
    %dma_wait3A_52 = tpu.memref_slice %arg4[%dma_wait3A_50, %dma_wait3A_51] : memref<10000x128xf32, #tpu.memory_space<hbm>> -> memref<10000x128xf32, #tpu.memory_space<hbm>>
    tpu.wait_indirect_dma semaphore(%arg13 : memref<!tpu.dma_semaphore, #tpu.memory_space<semaphore_mem>>) src(%dma_wait3A_52 : memref<10000x128xf32, #tpu.memory_space<hbm>>) dst(%arg10 : memref<80x128xf32, #tpu.memory_space<vmem>>)
    %dma_start3A_53 = arith.constant 0 : i32
    %dma_start3A_54 = tpu.memref_slice %arg9[%dma_start3A_53] : memref<10000xi32, #tpu.memory_space<vmem>> -> memref<80xi32, #tpu.memory_space<vmem>>
    %dma_start3A_55 = arith.constant 0 : i32
    %dma_start3A_56 = arith.constant 0 : i32
    %dma_start3A_57 = tpu.memref_slice %arg7[%dma_start3A_55, %dma_start3A_56] : memref<10000x128xf32, #tpu.memory_space<vmem_shared>> -> memref<10000x128xf32, #tpu.memory_space<vmem_shared>>
    tpu.enqueue_indirect_dma source(%arg10 : memref<80x128xf32, #tpu.memory_space<vmem>>) target(%dma_start3A_57 : memref<10000x128xf32, #tpu.memory_space<vmem_shared>>) offsets(%dma_start3A_54 : memref<80xi32, #tpu.memory_space<vmem>>) semaphore(%arg16 : memref<!tpu.dma_semaphore, #tpu.memory_space<semaphore_mem>>) {add = true}
    %dma_start3A_58 = arith.constant 160 : i32
    %dma_start3A_59 = tpu.memref_slice %arg8[%dma_start3A_58] : memref<10000xi32, #tpu.memory_space<vmem>> -> memref<80xi32, #tpu.memory_space<vmem>>
    %dma_start3A_60 = arith.constant 0 : i32
    %dma_start3A_61 = arith.constant 0 : i32
    %dma_start3A_62 = tpu.memref_slice %arg4[%dma_start3A_60, %dma_start3A_61] : memref<10000x128xf32, #tpu.memory_space<hbm>> -> memref<10000x128xf32, #tpu.memory_space<hbm>>
    tpu.enqueue_indirect_dma source(%dma_start3A_62 : memref<10000x128xf32, #tpu.memory_space<hbm>>) target(%arg12 : memref<80x128xf32, #tpu.memory_space<vmem>>) offsets(%dma_start3A_59 : memref<80xi32, #tpu.memory_space<vmem>>) semaphore(%arg15 : memref<!tpu.dma_semaphore, #tpu.memory_space<semaphore_mem>>)
    %dma_wait3A_63 = arith.constant 80 : i32
    %dma_wait3A_64 = tpu.memref_slice %arg8[%dma_wait3A_63] : memref<10000xi32, #tpu.memory_space<vmem>> -> memref<80xi32, #tpu.memory_space<vmem>>
    %dma_wait3A_65 = arith.constant 0 : i32
    %dma_wait3A_66 = arith.constant 0 : i32
    %dma_wait3A_67 = tpu.memref_slice %arg4[%dma_wait3A_65, %dma_wait3A_66] : memref<10000x128xf32, #tpu.memory_space<hbm>> -> memref<10000x128xf32, #tpu.memory_space<hbm>>
    tpu.wait_indirect_dma semaphore(%arg14 : memref<!tpu.dma_semaphore, #tpu.memory_space<semaphore_mem>>) src(%dma_wait3A_67 : memref<10000x128xf32, #tpu.memory_space<hbm>>) dst(%arg11 : memref<80x128xf32, #tpu.memory_space<vmem>>)
    %dma_start3A_68 = arith.constant 80 : i32
    %dma_start3A_69 = tpu.memref_slice %arg9[%dma_start3A_68] : memref<10000xi32, #tpu.memory_space<vmem>> -> memref<80xi32, #tpu.memory_space<vmem>>
    %dma_start3A_70 = arith.constant 0 : i32
    %dma_start3A_71 = arith.constant 0 : i32
    %dma_start3A_72 = tpu.memref_slice %arg7[%dma_start3A_70, %dma_start3A_71] : memref<10000x128xf32, #tpu.memory_space<vmem_shared>> -> memref<10000x128xf32, #tpu.memory_space<vmem_shared>>
    tpu.enqueue_indirect_dma source(%arg11 : memref<80x128xf32, #tpu.memory_space<vmem>>) target(%dma_start3A_72 : memref<10000x128xf32, #tpu.memory_space<vmem_shared>>) offsets(%dma_start3A_69 : memref<80xi32, #tpu.memory_space<vmem>>) semaphore(%arg17 : memref<!tpu.dma_semaphore, #tpu.memory_space<semaphore_mem>>) {add = true}
    %scan3A = arith.constant 0 : i32
    %scan3A_73 = arith.constant 0 : i32
    %scan3A_74 = arith.constant 41 : i32
    %scan3A_75 = arith.addi %scan3A_73, %scan3A_74 : i32
    %scan3A_76 = arith.constant 1 : i32
    %scan3A_77 = scf.for %scan3A_118 = %scan3A_73 to %scan3A_75 step %scan3A_76 iter_args(%scan3A_119 = %scan3A) -> (i32)  : i32 {
      %mul3A_120 = arith.constant 3 : i32
      %mul3A_121 = arith.muli %mul3A_120, %scan3A_118 : i32
      %add3A_122 = arith.constant 2 : i32
      %add3A_123 = arith.addi %mul3A_121, %add3A_122 : i32
      %add3A_124 = arith.constant 0 : i32
      %add3A_125 = arith.addi %add3A_123, %add3A_124 : i32
      %sub3A = arith.constant 2 : i32
      %sub3A_126 = arith.subi %add3A_125, %sub3A : i32
      %mul3A_127 = arith.constant 80 : i32
      %mul3A_128 = arith.muli %sub3A_126, %mul3A_127 : i32
      %dma_wait3A_129 = tpu.memref_slice %arg9[%mul3A_128] : memref<10000xi32, #tpu.memory_space<vmem>> -> memref<80xi32, #tpu.memory_space<vmem>>
      %dma_wait3A_130 = arith.constant 0 : i32
      %dma_wait3A_131 = arith.constant 0 : i32
      %dma_wait3A_132 = tpu.memref_slice %arg7[%dma_wait3A_130, %dma_wait3A_131] : memref<10000x128xf32, #tpu.memory_space<vmem_shared>> -> memref<10000x128xf32, #tpu.memory_space<vmem_shared>>
      tpu.wait_indirect_dma semaphore(%arg16 : memref<!tpu.dma_semaphore, #tpu.memory_space<semaphore_mem>>) src(%arg10 : memref<80x128xf32, #tpu.memory_space<vmem>>) dst(%dma_wait3A_132 : memref<10000x128xf32, #tpu.memory_space<vmem_shared>>)
      %add3A_133 = arith.constant 1 : i32
      %add3A_134 = arith.addi %add3A_125, %add3A_133 : i32
      %lt3A = arith.constant 125 : i32
      %lt3A_135 = arith.cmpi slt, %add3A_134, %lt3A : i32
      %convert_element_type3A_136 = arith.extui %lt3A_135 : i1 to i32
      %cond3A_137 = arith.constant 0 : i32
      %cond3A_138 = arith.cmpi ne, %convert_element_type3A_136, %cond3A_137 : i32
      scf.if %cond3A_138 {
        %add3A_218 = arith.constant 1 : i32
        %add3A_219 = arith.addi %add3A_125, %add3A_218 : i32
        %mul3A_220 = arith.constant 80 : i32
        %mul3A_221 = arith.muli %add3A_219, %mul3A_220 : i32
        %dma_start3A_222 = tpu.memref_slice %arg8[%mul3A_221] : memref<10000xi32, #tpu.memory_space<vmem>> -> memref<80xi32, #tpu.memory_space<vmem>>
        %dma_start3A_223 = arith.constant 0 : i32
        %dma_start3A_224 = arith.constant 0 : i32
        %dma_start3A_225 = tpu.memref_slice %arg4[%dma_start3A_223, %dma_start3A_224] : memref<10000x128xf32, #tpu.memory_space<hbm>> -> memref<10000x128xf32, #tpu.memory_space<hbm>>
        tpu.enqueue_indirect_dma source(%dma_start3A_225 : memref<10000x128xf32, #tpu.memory_space<hbm>>) target(%arg10 : memref<80x128xf32, #tpu.memory_space<vmem>>) offsets(%dma_start3A_222 : memref<80xi32, #tpu.memory_space<vmem>>) semaphore(%arg13 : memref<!tpu.dma_semaphore, #tpu.memory_space<semaphore_mem>>)
      } else {
      }
      %mul3A_139 = arith.constant 80 : i32
      %mul3A_140 = arith.muli %add3A_125, %mul3A_139 : i32
      %dma_wait3A_141 = tpu.memref_slice %arg8[%mul3A_140] : memref<10000xi32, #tpu.memory_space<vmem>> -> memref<80xi32, #tpu.memory_space<vmem>>
      %dma_wait3A_142 = arith.constant 0 : i32
      %dma_wait3A_143 = arith.constant 0 : i32
      %dma_wait3A_144 = tpu.memref_slice %arg4[%dma_wait3A_142, %dma_wait3A_143] : memref<10000x128xf32, #tpu.memory_space<hbm>> -> memref<10000x128xf32, #tpu.memory_space<hbm>>
      tpu.wait_indirect_dma semaphore(%arg15 : memref<!tpu.dma_semaphore, #tpu.memory_space<semaphore_mem>>) src(%dma_wait3A_144 : memref<10000x128xf32, #tpu.memory_space<hbm>>) dst(%arg12 : memref<80x128xf32, #tpu.memory_space<vmem>>)
      %mul3A_145 = arith.constant 80 : i32
      %mul3A_146 = arith.muli %add3A_125, %mul3A_145 : i32
      %dma_start3A_147 = tpu.memref_slice %arg9[%mul3A_146] : memref<10000xi32, #tpu.memory_space<vmem>> -> memref<80xi32, #tpu.memory_space<vmem>>
      %dma_start3A_148 = arith.constant 0 : i32
      %dma_start3A_149 = arith.constant 0 : i32
      %dma_start3A_150 = tpu.memref_slice %arg7[%dma_start3A_148, %dma_start3A_149] : memref<10000x128xf32, #tpu.memory_space<vmem_shared>> -> memref<10000x128xf32, #tpu.memory_space<vmem_shared>>
      tpu.enqueue_indirect_dma source(%arg12 : memref<80x128xf32, #tpu.memory_space<vmem>>) target(%dma_start3A_150 : memref<10000x128xf32, #tpu.memory_space<vmem_shared>>) offsets(%dma_start3A_147 : memref<80xi32, #tpu.memory_space<vmem>>) semaphore(%arg18 : memref<!tpu.dma_semaphore, #tpu.memory_space<semaphore_mem>>) {add = true}
      %mul3A_151 = arith.constant 3 : i32
      %mul3A_152 = arith.muli %mul3A_151, %scan3A_118 : i32
      %add3A_153 = arith.constant 2 : i32
      %add3A_154 = arith.addi %mul3A_152, %add3A_153 : i32
      %add3A_155 = arith.constant 1 : i32
      %add3A_156 = arith.addi %add3A_154, %add3A_155 : i32
      %sub3A_157 = arith.constant 2 : i32
      %sub3A_158 = arith.subi %add3A_156, %sub3A_157 : i32
      %mul3A_159 = arith.constant 80 : i32
      %mul3A_160 = arith.muli %sub3A_158, %mul3A_159 : i32
      %dma_wait3A_161 = tpu.memref_slice %arg9[%mul3A_160] : memref<10000xi32, #tpu.memory_space<vmem>> -> memref<80xi32, #tpu.memory_space<vmem>>
      %dma_wait3A_162 = arith.constant 0 : i32
      %dma_wait3A_163 = arith.constant 0 : i32
      %dma_wait3A_164 = tpu.memref_slice %arg7[%dma_wait3A_162, %dma_wait3A_163] : memref<10000x128xf32, #tpu.memory_space<vmem_shared>> -> memref<10000x128xf32, #tpu.memory_space<vmem_shared>>
      tpu.wait_indirect_dma semaphore(%arg17 : memref<!tpu.dma_semaphore, #tpu.memory_space<semaphore_mem>>) src(%arg11 : memref<80x128xf32, #tpu.memory_space<vmem>>) dst(%dma_wait3A_164 : memref<10000x128xf32, #tpu.memory_space<vmem_shared>>)
      %add3A_165 = arith.constant 1 : i32
      %add3A_166 = arith.addi %add3A_156, %add3A_165 : i32
      %lt3A_167 = arith.constant 125 : i32
      %lt3A_168 = arith.cmpi slt, %add3A_166, %lt3A_167 : i32
      %convert_element_type3A_169 = arith.extui %lt3A_168 : i1 to i32
      %cond3A_170 = arith.constant 0 : i32
      %cond3A_171 = arith.cmpi ne, %convert_element_type3A_169, %cond3A_170 : i32
      scf.if %cond3A_171 {
        %add3A_218 = arith.constant 1 : i32
        %add3A_219 = arith.addi %add3A_156, %add3A_218 : i32
        %mul3A_220 = arith.constant 80 : i32
        %mul3A_221 = arith.muli %add3A_219, %mul3A_220 : i32
        %dma_start3A_222 = tpu.memref_slice %arg8[%mul3A_221] : memref<10000xi32, #tpu.memory_space<vmem>> -> memref<80xi32, #tpu.memory_space<vmem>>
        %dma_start3A_223 = arith.constant 0 : i32
        %dma_start3A_224 = arith.constant 0 : i32
        %dma_start3A_225 = tpu.memref_slice %arg4[%dma_start3A_223, %dma_start3A_224] : memref<10000x128xf32, #tpu.memory_space<hbm>> -> memref<10000x128xf32, #tpu.memory_space<hbm>>
        tpu.enqueue_indirect_dma source(%dma_start3A_225 : memref<10000x128xf32, #tpu.memory_space<hbm>>) target(%arg11 : memref<80x128xf32, #tpu.memory_space<vmem>>) offsets(%dma_start3A_222 : memref<80xi32, #tpu.memory_space<vmem>>) semaphore(%arg14 : memref<!tpu.dma_semaphore, #tpu.memory_space<semaphore_mem>>)
      } else {
      }
      %mul3A_172 = arith.constant 80 : i32
      %mul3A_173 = arith.muli %add3A_156, %mul3A_172 : i32
      %dma_wait3A_174 = tpu.memref_slice %arg8[%mul3A_173] : memref<10000xi32, #tpu.memory_space<vmem>> -> memref<80xi32, #tpu.memory_space<vmem>>
      %dma_wait3A_175 = arith.constant 0 : i32
      %dma_wait3A_176 = arith.constant 0 : i32
      %dma_wait3A_177 = tpu.memref_slice %arg4[%dma_wait3A_175, %dma_wait3A_176] : memref<10000x128xf32, #tpu.memory_space<hbm>> -> memref<10000x128xf32, #tpu.memory_space<hbm>>
      tpu.wait_indirect_dma semaphore(%arg13 : memref<!tpu.dma_semaphore, #tpu.memory_space<semaphore_mem>>) src(%dma_wait3A_177 : memref<10000x128xf32, #tpu.memory_space<hbm>>) dst(%arg10 : memref<80x128xf32, #tpu.memory_space<vmem>>)
      %mul3A_178 = arith.constant 80 : i32
      %mul3A_179 = arith.muli %add3A_156, %mul3A_178 : i32
      %dma_start3A_180 = tpu.memref_slice %arg9[%mul3A_179] : memref<10000xi32, #tpu.memory_space<vmem>> -> memref<80xi32, #tpu.memory_space<vmem>>
      %dma_start3A_181 = arith.constant 0 : i32
      %dma_start3A_182 = arith.constant 0 : i32
      %dma_start3A_183 = tpu.memref_slice %arg7[%dma_start3A_181, %dma_start3A_182] : memref<10000x128xf32, #tpu.memory_space<vmem_shared>> -> memref<10000x128xf32, #tpu.memory_space<vmem_shared>>
      tpu.enqueue_indirect_dma source(%arg10 : memref<80x128xf32, #tpu.memory_space<vmem>>) target(%dma_start3A_183 : memref<10000x128xf32, #tpu.memory_space<vmem_shared>>) offsets(%dma_start3A_180 : memref<80xi32, #tpu.memory_space<vmem>>) semaphore(%arg16 : memref<!tpu.dma_semaphore, #tpu.memory_space<semaphore_mem>>) {add = true}
      %mul3A_184 = arith.constant 3 : i32
      %mul3A_185 = arith.muli %mul3A_184, %scan3A_118 : i32
      %add3A_186 = arith.constant 2 : i32
      %add3A_187 = arith.addi %mul3A_185, %add3A_186 : i32
      %add3A_188 = arith.constant 2 : i32
      %add3A_189 = arith.addi %add3A_187, %add3A_188 : i32
      %sub3A_190 = arith.constant 2 : i32
      %sub3A_191 = arith.subi %add3A_189, %sub3A_190 : i32
      %mul3A_192 = arith.constant 80 : i32
      %mul3A_193 = arith.muli %sub3A_191, %mul3A_192 : i32
      %dma_wait3A_194 = tpu.memref_slice %arg9[%mul3A_193] : memref<10000xi32, #tpu.memory_space<vmem>> -> memref<80xi32, #tpu.memory_space<vmem>>
      %dma_wait3A_195 = arith.constant 0 : i32
      %dma_wait3A_196 = arith.constant 0 : i32
      %dma_wait3A_197 = tpu.memref_slice %arg7[%dma_wait3A_195, %dma_wait3A_196] : memref<10000x128xf32, #tpu.memory_space<vmem_shared>> -> memref<10000x128xf32, #tpu.memory_space<vmem_shared>>
      tpu.wait_indirect_dma semaphore(%arg18 : memref<!tpu.dma_semaphore, #tpu.memory_space<semaphore_mem>>) src(%arg12 : memref<80x128xf32, #tpu.memory_space<vmem>>) dst(%dma_wait3A_197 : memref<10000x128xf32, #tpu.memory_space<vmem_shared>>)
      %add3A_198 = arith.constant 1 : i32
      %add3A_199 = arith.addi %add3A_189, %add3A_198 : i32
      %lt3A_200 = arith.constant 125 : i32
      %lt3A_201 = arith.cmpi slt, %add3A_199, %lt3A_200 : i32
      %convert_element_type3A_202 = arith.extui %lt3A_201 : i1 to i32
      %cond3A_203 = arith.constant 0 : i32
      %cond3A_204 = arith.cmpi ne, %convert_element_type3A_202, %cond3A_203 : i32
      scf.if %cond3A_204 {
        %add3A_218 = arith.constant 1 : i32
        %add3A_219 = arith.addi %add3A_189, %add3A_218 : i32
        %mul3A_220 = arith.constant 80 : i32
        %mul3A_221 = arith.muli %add3A_219, %mul3A_220 : i32
        %dma_start3A_222 = tpu.memref_slice %arg8[%mul3A_221] : memref<10000xi32, #tpu.memory_space<vmem>> -> memref<80xi32, #tpu.memory_space<vmem>>
        %dma_start3A_223 = arith.constant 0 : i32
        %dma_start3A_224 = arith.constant 0 : i32
        %dma_start3A_225 = tpu.memref_slice %arg4[%dma_start3A_223, %dma_start3A_224] : memref<10000x128xf32, #tpu.memory_space<hbm>> -> memref<10000x128xf32, #tpu.memory_space<hbm>>
        tpu.enqueue_indirect_dma source(%dma_start3A_225 : memref<10000x128xf32, #tpu.memory_space<hbm>>) target(%arg12 : memref<80x128xf32, #tpu.memory_space<vmem>>) offsets(%dma_start3A_222 : memref<80xi32, #tpu.memory_space<vmem>>) semaphore(%arg15 : memref<!tpu.dma_semaphore, #tpu.memory_space<semaphore_mem>>)
      } else {
      }
      %mul3A_205 = arith.constant 80 : i32
      %mul3A_206 = arith.muli %add3A_189, %mul3A_205 : i32
      %dma_wait3A_207 = tpu.memref_slice %arg8[%mul3A_206] : memref<10000xi32, #tpu.memory_space<vmem>> -> memref<80xi32, #tpu.memory_space<vmem>>
      %dma_wait3A_208 = arith.constant 0 : i32
      %dma_wait3A_209 = arith.constant 0 : i32
      %dma_wait3A_210 = tpu.memref_slice %arg4[%dma_wait3A_208, %dma_wait3A_209] : memref<10000x128xf32, #tpu.memory_space<hbm>> -> memref<10000x128xf32, #tpu.memory_space<hbm>>
      tpu.wait_indirect_dma semaphore(%arg14 : memref<!tpu.dma_semaphore, #tpu.memory_space<semaphore_mem>>) src(%dma_wait3A_210 : memref<10000x128xf32, #tpu.memory_space<hbm>>) dst(%arg11 : memref<80x128xf32, #tpu.memory_space<vmem>>)
      %mul3A_211 = arith.constant 80 : i32
      %mul3A_212 = arith.muli %add3A_189, %mul3A_211 : i32
      %dma_start3A_213 = tpu.memref_slice %arg9[%mul3A_212] : memref<10000xi32, #tpu.memory_space<vmem>> -> memref<80xi32, #tpu.memory_space<vmem>>
      %dma_start3A_214 = arith.constant 0 : i32
      %dma_start3A_215 = arith.constant 0 : i32
      %dma_start3A_216 = tpu.memref_slice %arg7[%dma_start3A_214, %dma_start3A_215] : memref<10000x128xf32, #tpu.memory_space<vmem_shared>> -> memref<10000x128xf32, #tpu.memory_space<vmem_shared>>
      tpu.enqueue_indirect_dma source(%arg11 : memref<80x128xf32, #tpu.memory_space<vmem>>) target(%dma_start3A_216 : memref<10000x128xf32, #tpu.memory_space<vmem_shared>>) offsets(%dma_start3A_213 : memref<80xi32, #tpu.memory_space<vmem>>) semaphore(%arg17 : memref<!tpu.dma_semaphore, #tpu.memory_space<semaphore_mem>>) {add = true}
      %scan3A_217 = arith.constant 0 : i32
      scf.yield %scan3A_217 : i32
    }
    %scan3A_78 = arith.constant 41 : i32
    %dma_wait3A_79 = arith.constant 9840 : i32
    %dma_wait3A_80 = tpu.memref_slice %arg9[%dma_wait3A_79] : memref<10000xi32, #tpu.memory_space<vmem>> -> memref<80xi32, #tpu.memory_space<vmem>>
    %dma_wait3A_81 = arith.constant 0 : i32
    %dma_wait3A_82 = arith.constant 0 : i32
    %dma_wait3A_83 = tpu.memref_slice %arg7[%dma_wait3A_81, %dma_wait3A_82] : memref<10000x128xf32, #tpu.memory_space<vmem_shared>> -> memref<10000x128xf32, #tpu.memory_space<vmem_shared>>
    tpu.wait_indirect_dma semaphore(%arg16 : memref<!tpu.dma_semaphore, #tpu.memory_space<semaphore_mem>>) src(%arg10 : memref<80x128xf32, #tpu.memory_space<vmem>>) dst(%dma_wait3A_83 : memref<10000x128xf32, #tpu.memory_space<vmem_shared>>)
    %dma_wait3A_84 = arith.constant 9920 : i32
    %dma_wait3A_85 = tpu.memref_slice %arg9[%dma_wait3A_84] : memref<10000xi32, #tpu.memory_space<vmem>> -> memref<80xi32, #tpu.memory_space<vmem>>
    %dma_wait3A_86 = arith.constant 0 : i32
    %dma_wait3A_87 = arith.constant 0 : i32
    %dma_wait3A_88 = tpu.memref_slice %arg7[%dma_wait3A_86, %dma_wait3A_87] : memref<10000x128xf32, #tpu.memory_space<vmem_shared>> -> memref<10000x128xf32, #tpu.memory_space<vmem_shared>>
    tpu.wait_indirect_dma semaphore(%arg17 : memref<!tpu.dma_semaphore, #tpu.memory_space<semaphore_mem>>) src(%arg11 : memref<80x128xf32, #tpu.memory_space<vmem>>) dst(%dma_wait3A_88 : memref<10000x128xf32, #tpu.memory_space<vmem_shared>>)
    %barrier3A_89 = arith.constant 0 : index
    tpu.barrier barrier_id(%barrier3A_89)
    %mul3A_90 = arith.constant 624 : i32
    %mul3A_91 = arith.muli %arg1, %mul3A_90 : i32
    %mul3A_92 = arith.constant 624 : i32
    %mul3A_93 = arith.muli %arg1, %mul3A_92 : i32
    %dma_start3A_94 = arith.constant 0 : i32
    %dma_start3A_95 = tpu.memref_slice %arg6[%arg0, %mul3A_93, %dma_start3A_94] : memref<2x10000x128xf32, #tpu.memory_space<hbm>> -> memref<1x624x128xf32, #tpu.memory_space<hbm>>
    %dma_start3A_96 = tpu.memref_squeeze %dma_start3A_95 : memref<1x624x128xf32, #tpu.memory_space<hbm>> -> memref<624x128xf32, #tpu.memory_space<hbm>>
    %dma_start3A_97 = arith.constant 0 : i32
    %dma_start3A_98 = tpu.memref_slice %arg7[%mul3A_91, %dma_start3A_97] : memref<10000x128xf32, #tpu.memory_space<vmem_shared>> -> memref<624x128xf32, #tpu.memory_space<vmem_shared>>
    tpu.enqueue_dma source(%dma_start3A_98 : memref<624x128xf32, #tpu.memory_space<vmem_shared>>) target(%dma_start3A_96 : memref<624x128xf32, #tpu.memory_space<hbm>>) target_semaphore(%arg19 : memref<!tpu.dma_semaphore, #tpu.memory_space<semaphore_mem>>)
    %eq3A_99 = arith.constant 0 : i32
    %eq3A_100 = arith.cmpi eq, %arg1, %eq3A_99 : i32
    %convert_element_type3A_101 = arith.extui %eq3A_100 : i1 to i32
    %cond3A_102 = arith.constant 0 : i32
    %cond3A_103 = arith.cmpi ne, %convert_element_type3A_101, %cond3A_102 : i32
    scf.if %cond3A_103 {
      %dma_start3A_118 = arith.constant 9984 : i32
      %dma_start3A_119 = arith.constant 0 : i32
      %dma_start3A_120 = tpu.memref_slice %arg6[%arg0, %dma_start3A_118, %dma_start3A_119] : memref<2x10000x128xf32, #tpu.memory_space<hbm>> -> memref<1x16x128xf32, #tpu.memory_space<hbm>>
      %dma_start3A_121 = tpu.memref_squeeze %dma_start3A_120 : memref<1x16x128xf32, #tpu.memory_space<hbm>> -> memref<16x128xf32, #tpu.memory_space<hbm>>
      %dma_start3A_122 = arith.constant 9984 : i32
      %dma_start3A_123 = arith.constant 0 : i32
      %dma_start3A_124 = tpu.memref_slice %arg7[%dma_start3A_122, %dma_start3A_123] : memref<10000x128xf32, #tpu.memory_space<vmem_shared>> -> memref<16x128xf32, #tpu.memory_space<vmem_shared>>
      tpu.enqueue_dma source(%dma_start3A_124 : memref<16x128xf32, #tpu.memory_space<vmem_shared>>) target(%dma_start3A_121 : memref<16x128xf32, #tpu.memory_space<hbm>>) target_semaphore(%arg19 : memref<!tpu.dma_semaphore, #tpu.memory_space<semaphore_mem>>)
    } else {
    }
    %mul3A_104 = arith.constant 624 : i32
    %mul3A_105 = arith.muli %arg1, %mul3A_104 : i32
    %mul3A_106 = arith.constant 624 : i32
    %mul3A_107 = arith.muli %arg1, %mul3A_106 : i32
    %dma_wait3A_108 = arith.constant 0 : i32
    %dma_wait3A_109 = tpu.memref_slice %arg6[%arg0, %mul3A_107, %dma_wait3A_108] : memref<2x10000x128xf32, #tpu.memory_space<hbm>> -> memref<1x624x128xf32, #tpu.memory_space<hbm>>
    %dma_wait3A_110 = tpu.memref_squeeze %dma_wait3A_109 : memref<1x624x128xf32, #tpu.memory_space<hbm>> -> memref<624x128xf32, #tpu.memory_space<hbm>>
    %dma_wait3A_111 = arith.constant 0 : i32
    %dma_wait3A_112 = tpu.memref_slice %arg7[%mul3A_105, %dma_wait3A_111] : memref<10000x128xf32, #tpu.memory_space<vmem_shared>> -> memref<624x128xf32, #tpu.memory_space<vmem_shared>>
    tpu.wait_dma2 semaphore(%arg19 : memref<!tpu.dma_semaphore, #tpu.memory_space<semaphore_mem>>) src(%dma_wait3A_112 : memref<624x128xf32, #tpu.memory_space<vmem_shared>>) dst(%dma_wait3A_110 : memref<624x128xf32, #tpu.memory_space<hbm>>)
    %eq3A_113 = arith.constant 0 : i32
    %eq3A_114 = arith.cmpi eq, %arg1, %eq3A_113 : i32
    %convert_element_type3A_115 = arith.extui %eq3A_114 : i1 to i32
    %cond3A_116 = arith.constant 0 : i32
    %cond3A_117 = arith.cmpi ne, %convert_element_type3A_115, %cond3A_116 : i32
    scf.if %cond3A_117 {
      %dma_wait3A_118 = arith.constant 9984 : i32
      %dma_wait3A_119 = arith.constant 0 : i32
      %dma_wait3A_120 = tpu.memref_slice %arg6[%arg0, %dma_wait3A_118, %dma_wait3A_119] : memref<2x10000x128xf32, #tpu.memory_space<hbm>> -> memref<1x16x128xf32, #tpu.memory_space<hbm>>
      %dma_wait3A_121 = tpu.memref_squeeze %dma_wait3A_120 : memref<1x16x128xf32, #tpu.memory_space<hbm>> -> memref<16x128xf32, #tpu.memory_space<hbm>>
      %dma_wait3A_122 = arith.constant 9984 : i32
      %dma_wait3A_123 = arith.constant 0 : i32
      %dma_wait3A_124 = tpu.memref_slice %arg7[%dma_wait3A_122, %dma_wait3A_123] : memref<10000x128xf32, #tpu.memory_space<vmem_shared>> -> memref<16x128xf32, #tpu.memory_space<vmem_shared>>
      tpu.wait_dma2 semaphore(%arg19 : memref<!tpu.dma_semaphore, #tpu.memory_space<semaphore_mem>>) src(%dma_wait3A_124 : memref<16x128xf32, #tpu.memory_space<vmem_shared>>) dst(%dma_wait3A_121 : memref<16x128xf32, #tpu.memory_space<hbm>>)
    } else {
    }
    return
  }
}

module attributes {stable_mosaic.version = 14 : i64} {
  func.func @_k1_body(%arg0: i32, %arg1: memref<1000x128xf32, #tpu.memory_space<vmem>>, %arg2: memref<128x128xf32, #tpu.memory_space<vmem>>, %arg3: memref<2x1000x16xf32, #tpu.memory_space<vmem>>, %arg4: memref<1000x128xf32, #tpu.memory_space<vmem>>, %arg5: memref<1000x1xf32, #tpu.memory_space<vmem>>) attributes {dimension_semantics = [#tpu.dimension_semantics<arbitrary>], iteration_bounds = array<i64: 10>, scalar_prefetch = 0 : i64, scratch_operands = 0 : i64, tpu.core_type = #tpu.core_type<tc>, window_params = [{transform_indices = @transform_0, window_bounds = array<i64: 1000, 128>}, {pipeline_mode = #tpu.pipeline_mode<synchronous>, transform_indices = @transform_1, window_bounds = array<i64: 128, 128>}, {transform_indices = @transform_2, window_bounds = array<i64: 2, 1000, 16>}, {transform_indices = @transform_3, window_bounds = array<i64: 1000, 128>}, {transform_indices = @transform_4, window_bounds = array<i64: 1000, 1>}]} {
    %get3A = arith.constant 0 : index
    %get3A_0 = arith.constant 0 : index
    %get3A_1 = arith.constant 0 : index
    %get3A_2 = vector.load %arg3[%get3A, %get3A_0, %get3A_1] : memref<2x1000x16xf32, #tpu.memory_space<vmem>>, vector<1x1000x1xf32>
    %get3A_3 = vector.shape_cast %get3A_2 : vector<1x1000x1xf32> to vector<1000x1xf32>
    %get3A_4 = arith.constant 1 : index
    %get3A_5 = arith.constant 0 : index
    %get3A_6 = arith.constant 0 : index
    %get3A_7 = vector.load %arg3[%get3A_4, %get3A_5, %get3A_6] : memref<2x1000x16xf32, #tpu.memory_space<vmem>>, vector<1x1000x1xf32>
    %get3A_8 = vector.shape_cast %get3A_7 : vector<1x1000x1xf32> to vector<1000x1xf32>
    %add3A = arith.addf %get3A_3, %get3A_8 : vector<1000x1xf32>
    %rsqrt3A = math.rsqrt %add3A : vector<1000x1xf32>
    %get3A_9 = arith.constant 0 : index
    %get3A_10 = arith.constant 0 : index
    %get3A_11 = vector.load %arg1[%get3A_9, %get3A_10] : memref<1000x128xf32, #tpu.memory_space<vmem>>, vector<1000x128xf32>
    %get3A_12 = arith.constant 0 : index
    %get3A_13 = arith.constant 0 : index
    %get3A_14 = vector.load %arg2[%get3A_12, %get3A_13] : memref<128x128xf32, #tpu.memory_space<vmem>>, vector<128x128xf32>
    %dot_general3A = arith.constant dense<0.000000e+00> : vector<1000x128xf32>
    %dot_general3A_15 = tpu.matmul %get3A_11, %get3A_14, %dot_general3A {dimension_numbers = #tpu.dot_dimension_numbers<[1], [0], [0], [1], [0, 0, 1, 1], [], []>, transpose_lhs_hint = false} : vector<1000x128xf32>, vector<128x128xf32>, vector<1000x128xf32> -> vector<1000x128xf32>
    %mul3A = vector.broadcast %rsqrt3A : vector<1000x1xf32> to vector<1000x128xf32>
    %mul3A_16 = arith.mulf %dot_general3A_15, %mul3A : vector<1000x128xf32>
    %swap3A = arith.constant 0 : index
    %swap3A_17 = arith.constant 0 : index
    %swap3A_18 = vector.load %arg4[%swap3A, %swap3A_17] : memref<1000x128xf32, #tpu.memory_space<vmem>>, vector<1000x128xf32>
    tpu.vector_store %arg4[%swap3A, %swap3A_17], %mul3A_16 {strides = array<i32>} : memref<1000x128xf32, #tpu.memory_space<vmem>>, vector<1000x128xf32>,
    %swap3A_19 = arith.constant 0 : index
    %swap3A_20 = arith.constant 0 : index
    %swap3A_21 = vector.load %arg5[%swap3A_19, %swap3A_20] : memref<1000x1xf32, #tpu.memory_space<vmem>>, vector<1000x1xf32>
    tpu.vector_store %arg5[%swap3A_19, %swap3A_20], %rsqrt3A {strides = array<i32>} : memref<1000x1xf32, #tpu.memory_space<vmem>>, vector<1000x1xf32>,
    return
  }
  func.func @transform_0(%arg0: i32) -> (i32, i32) {
    %c0_i32 = arith.constant 0 : i32
    %c0_i32_0 = arith.constant 0 : i32
    return %arg0, %c0_i32 : i32, i32
  }
  func.func @transform_1(%arg0: i32) -> (i32, i32) {
    %c0_i32 = arith.constant 0 : i32
    %c0_i32_0 = arith.constant 0 : i32
    %c0_i32_1 = arith.constant 0 : i32
    return %c0_i32, %c0_i32_0 : i32, i32
  }
  func.func @transform_2(%arg0: i32) -> (i32, i32, i32) {
    %c0_i32 = arith.constant 0 : i32
    %c0_i32_0 = arith.constant 0 : i32
    %c0_i32_1 = arith.constant 0 : i32
    return %c0_i32, %arg0, %c0_i32_0 : i32, i32, i32
  }
  func.func @transform_3(%arg0: i32) -> (i32, i32) {
    %c0_i32 = arith.constant 0 : i32
    %c0_i32_0 = arith.constant 0 : i32
    return %arg0, %c0_i32 : i32, i32
  }
  func.func @transform_4(%arg0: i32) -> (i32, i32) {
    %c0_i32 = arith.constant 0 : i32
    %c0_i32_0 = arith.constant 0 : i32
    return %arg0, %c0_i32 : i32, i32
  }
}

module attributes {stable_mosaic.version = 14 : i64} {
  func.func @_k2_body(%arg0: i32, %arg1: memref<2x1000x128xf32, #tpu.memory_space<vmem>>, %arg2: memref<1000x128xf32, #tpu.memory_space<vmem>>, %arg3: memref<1000x1xf32, #tpu.memory_space<vmem>>, %arg4: memref<1x128xf32, #tpu.memory_space<vmem>>, %arg5: memref<128x128xf32, #tpu.memory_space<vmem>>, %arg6: memref<1000x128xf32, #tpu.memory_space<vmem>>) attributes {dimension_semantics = [#tpu.dimension_semantics<arbitrary>], iteration_bounds = array<i64: 10>, scalar_prefetch = 0 : i64, scratch_operands = 0 : i64, tpu.core_type = #tpu.core_type<tc>, window_params = [{transform_indices = @transform_0, window_bounds = array<i64: 2, 1000, 128>}, {transform_indices = @transform_1, window_bounds = array<i64: 1000, 128>}, {transform_indices = @transform_2, window_bounds = array<i64: 1000, 1>}, {pipeline_mode = #tpu.pipeline_mode<synchronous>, transform_indices = @transform_3, window_bounds = array<i64: 1, 128>}, {pipeline_mode = #tpu.pipeline_mode<synchronous>, transform_indices = @transform_4, window_bounds = array<i64: 128, 128>}, {transform_indices = @transform_5, window_bounds = array<i64: 1000, 128>}]} {
    %get3A = arith.constant 0 : index
    %get3A_0 = arith.constant 0 : index
    %get3A_1 = vector.load %arg3[%get3A, %get3A_0] : memref<1000x1xf32, #tpu.memory_space<vmem>>, vector<1000x1xf32>
    %get3A_2 = arith.constant 0 : index
    %get3A_3 = arith.constant 0 : index
    %get3A_4 = arith.constant 0 : index
    %get3A_5 = vector.load %arg1[%get3A_2, %get3A_3, %get3A_4] : memref<2x1000x128xf32, #tpu.memory_space<vmem>>, vector<1x1000x128xf32>
    %get3A_6 = vector.shape_cast %get3A_5 : vector<1x1000x128xf32> to vector<1000x128xf32>
    %get3A_7 = arith.constant 1 : index
    %get3A_8 = arith.constant 0 : index
    %get3A_9 = arith.constant 0 : index
    %get3A_10 = vector.load %arg1[%get3A_7, %get3A_8, %get3A_9] : memref<2x1000x128xf32, #tpu.memory_space<vmem>>, vector<1x1000x128xf32>
    %get3A_11 = vector.shape_cast %get3A_10 : vector<1x1000x128xf32> to vector<1000x128xf32>
    %add3A = arith.addf %get3A_6, %get3A_11 : vector<1000x128xf32>
    %get3A_12 = arith.constant 0 : index
    %get3A_13 = arith.constant 0 : index
    %get3A_14 = vector.load %arg2[%get3A_12, %get3A_13] : memref<1000x128xf32, #tpu.memory_space<vmem>>, vector<1000x128xf32>
    %add3A_15 = arith.addf %add3A, %get3A_14 : vector<1000x128xf32>
    %mul3A = vector.broadcast %get3A_1 : vector<1000x1xf32> to vector<1000x128xf32>
    %mul3A_16 = arith.mulf %add3A_15, %mul3A : vector<1000x128xf32>
    %get3A_17 = arith.constant 0 : index
    %get3A_18 = arith.constant 0 : index
    %get3A_19 = vector.load %arg4[%get3A_17, %get3A_18] : memref<1x128xf32, #tpu.memory_space<vmem>>, vector<1x128xf32>
    %add3A_20 = vector.broadcast %get3A_19 : vector<1x128xf32> to vector<1000x128xf32>
    %add3A_21 = arith.addf %mul3A_16, %add3A_20 : vector<1000x128xf32>
    %max3A = arith.constant 0.000000e+00 : f32
    %max3A_22 = vector.broadcast %max3A : f32 to vector<1000x128xf32>
    %max3A_23 = arith.maximumf %add3A_21, %max3A_22 : vector<1000x128xf32>
    %get3A_24 = arith.constant 0 : index
    %get3A_25 = arith.constant 0 : index
    %get3A_26 = vector.load %arg5[%get3A_24, %get3A_25] : memref<128x128xf32, #tpu.memory_space<vmem>>, vector<128x128xf32>
    %dot_general3A = arith.constant dense<0.000000e+00> : vector<1000x128xf32>
    %dot_general3A_27 = tpu.matmul %max3A_23, %get3A_26, %dot_general3A {dimension_numbers = #tpu.dot_dimension_numbers<[1], [0], [0], [1], [0, 0, 1, 1], [], []>, transpose_lhs_hint = false} : vector<1000x128xf32>, vector<128x128xf32>, vector<1000x128xf32> -> vector<1000x128xf32>
    %mul3A_28 = vector.broadcast %get3A_1 : vector<1000x1xf32> to vector<1000x128xf32>
    %mul3A_29 = arith.mulf %dot_general3A_27, %mul3A_28 : vector<1000x128xf32>
    %swap3A = arith.constant 0 : index
    %swap3A_30 = arith.constant 0 : index
    %swap3A_31 = vector.load %arg6[%swap3A, %swap3A_30] : memref<1000x128xf32, #tpu.memory_space<vmem>>, vector<1000x128xf32>
    tpu.vector_store %arg6[%swap3A, %swap3A_30], %mul3A_29 {strides = array<i32>} : memref<1000x128xf32, #tpu.memory_space<vmem>>, vector<1000x128xf32>,
    return
  }
  func.func @transform_0(%arg0: i32) -> (i32, i32, i32) {
    %c0_i32 = arith.constant 0 : i32
    %c0_i32_0 = arith.constant 0 : i32
    %c0_i32_1 = arith.constant 0 : i32
    return %c0_i32, %arg0, %c0_i32_0 : i32, i32, i32
  }
  func.func @transform_1(%arg0: i32) -> (i32, i32) {
    %c0_i32 = arith.constant 0 : i32
    %c0_i32_0 = arith.constant 0 : i32
    return %arg0, %c0_i32 : i32, i32
  }
  func.func @transform_2(%arg0: i32) -> (i32, i32) {
    %c0_i32 = arith.constant 0 : i32
    %c0_i32_0 = arith.constant 0 : i32
    return %arg0, %c0_i32 : i32, i32
  }
  func.func @transform_3(%arg0: i32) -> (i32, i32) {
    %c0_i32 = arith.constant 0 : i32
    %c0_i32_0 = arith.constant 0 : i32
    %c0_i32_1 = arith.constant 0 : i32
    return %c0_i32, %c0_i32_0 : i32, i32
  }
  func.func @transform_4(%arg0: i32) -> (i32, i32) {
    %c0_i32 = arith.constant 0 : i32
    %c0_i32_0 = arith.constant 0 : i32
    %c0_i32_1 = arith.constant 0 : i32
    return %c0_i32, %c0_i32_0 : i32, i32
  }
  func.func @transform_5(%arg0: i32) -> (i32, i32) {
    %c0_i32 = arith.constant 0 : i32
    %c0_i32_0 = arith.constant 0 : i32
    return %arg0, %c0_i32 : i32, i32
  }
}

module attributes {stable_mosaic.version = 14 : i64} {
  func.func @_k3_body(%arg0: i32, %arg1: memref<2x1000x128xf32, #tpu.memory_space<vmem>>, %arg2: memref<1000x128xf32, #tpu.memory_space<vmem>>, %arg3: memref<1000x1xf32, #tpu.memory_space<vmem>>, %arg4: memref<1x128xf32, #tpu.memory_space<vmem>>, %arg5: memref<1000x128xf32, #tpu.memory_space<vmem>>) attributes {dimension_semantics = [#tpu.dimension_semantics<arbitrary>], iteration_bounds = array<i64: 10>, scalar_prefetch = 0 : i64, scratch_operands = 0 : i64, tpu.core_type = #tpu.core_type<tc>, window_params = [{transform_indices = @transform_0, window_bounds = array<i64: 2, 1000, 128>}, {transform_indices = @transform_1, window_bounds = array<i64: 1000, 128>}, {transform_indices = @transform_2, window_bounds = array<i64: 1000, 1>}, {pipeline_mode = #tpu.pipeline_mode<synchronous>, transform_indices = @transform_3, window_bounds = array<i64: 1, 128>}, {transform_indices = @transform_4, window_bounds = array<i64: 1000, 128>}]} {
    %get3A = arith.constant 0 : index
    %get3A_0 = arith.constant 0 : index
    %get3A_1 = arith.constant 0 : index
    %get3A_2 = vector.load %arg1[%get3A, %get3A_0, %get3A_1] : memref<2x1000x128xf32, #tpu.memory_space<vmem>>, vector<1x1000x128xf32>
    %get3A_3 = vector.shape_cast %get3A_2 : vector<1x1000x128xf32> to vector<1000x128xf32>
    %get3A_4 = arith.constant 1 : index
    %get3A_5 = arith.constant 0 : index
    %get3A_6 = arith.constant 0 : index
    %get3A_7 = vector.load %arg1[%get3A_4, %get3A_5, %get3A_6] : memref<2x1000x128xf32, #tpu.memory_space<vmem>>, vector<1x1000x128xf32>
    %get3A_8 = vector.shape_cast %get3A_7 : vector<1x1000x128xf32> to vector<1000x128xf32>
    %add3A = arith.addf %get3A_3, %get3A_8 : vector<1000x128xf32>
    %get3A_9 = arith.constant 0 : index
    %get3A_10 = arith.constant 0 : index
    %get3A_11 = vector.load %arg2[%get3A_9, %get3A_10] : memref<1000x128xf32, #tpu.memory_space<vmem>>, vector<1000x128xf32>
    %add3A_12 = arith.addf %add3A, %get3A_11 : vector<1000x128xf32>
    %get3A_13 = arith.constant 0 : index
    %get3A_14 = arith.constant 0 : index
    %get3A_15 = vector.load %arg3[%get3A_13, %get3A_14] : memref<1000x1xf32, #tpu.memory_space<vmem>>, vector<1000x1xf32>
    %mul3A = vector.broadcast %get3A_15 : vector<1000x1xf32> to vector<1000x128xf32>
    %mul3A_16 = arith.mulf %add3A_12, %mul3A : vector<1000x128xf32>
    %get3A_17 = arith.constant 0 : index
    %get3A_18 = arith.constant 0 : index
    %get3A_19 = vector.load %arg4[%get3A_17, %get3A_18] : memref<1x128xf32, #tpu.memory_space<vmem>>, vector<1x128xf32>
    %add3A_20 = vector.broadcast %get3A_19 : vector<1x128xf32> to vector<1000x128xf32>
    %add3A_21 = arith.addf %mul3A_16, %add3A_20 : vector<1000x128xf32>
    %swap3A = arith.constant 0 : index
    %swap3A_22 = arith.constant 0 : index
    %swap3A_23 = vector.load %arg5[%swap3A, %swap3A_22] : memref<1000x128xf32, #tpu.memory_space<vmem>>, vector<1000x128xf32>
    tpu.vector_store %arg5[%swap3A, %swap3A_22], %add3A_21 {strides = array<i32>} : memref<1000x128xf32, #tpu.memory_space<vmem>>, vector<1000x128xf32>,
    return
  }
  func.func @transform_0(%arg0: i32) -> (i32, i32, i32) {
    %c0_i32 = arith.constant 0 : i32
    %c0_i32_0 = arith.constant 0 : i32
    %c0_i32_1 = arith.constant 0 : i32
    return %c0_i32, %arg0, %c0_i32_0 : i32, i32, i32
  }
  func.func @transform_1(%arg0: i32) -> (i32, i32) {
    %c0_i32 = arith.constant 0 : i32
    %c0_i32_0 = arith.constant 0 : i32
    return %arg0, %c0_i32 : i32, i32
  }
  func.func @transform_2(%arg0: i32) -> (i32, i32) {
    %c0_i32 = arith.constant 0 : i32
    %c0_i32_0 = arith.constant 0 : i32
    return %arg0, %c0_i32 : i32, i32
  }
  func.func @transform_3(%arg0: i32) -> (i32, i32) {
    %c0_i32 = arith.constant 0 : i32
    %c0_i32_0 = arith.constant 0 : i32
    %c0_i32_1 = arith.constant 0 : i32
    return %c0_i32, %c0_i32_0 : i32, i32
  }
  func.func @transform_4(%arg0: i32) -> (i32, i32) {
    %c0_i32 = arith.constant 0 : i32
    %c0_i32_0 = arith.constant 0 : i32
    return %arg0, %c0_i32 : i32, i32
  }
}

</mosaic_0001>

<sc_bundles>
// kernel: kernel.11.cloned.1.call-start
scs
__scs_entry_jumppad:
0x0: {  	(pc) =	sbr.rel $0x88, $3  }
0x1: {  	(tag) =	ssettag $0x0;
	lr =	simm.s32 $0x1  }
0x2: {  	[smem:$0x3F9B] =	sst lr;
	_ =	strace $0xD0000000  }
0x3: {  	_ = 	snop  }
0x4: {  	_ = 	snop  }
0x5: {  	_ = 	snop  }
0x6: {  	_ = 	snop  }
0x7: {  	_ = 	snop  }
__scs_overlays_trampoline_lowered:
0x8: {  	[smem:$0x3FAA] =	sst s0  }
0x9: {  	[smem:$0x3FAB] =	sst s1  }
0xa: {  	[smem:$0x3FAC] =	sst s2  }
0xb: {  	[smem:$0x3FAD] =	sst s3  }
0xc: {  	[smem:$0x3FAE] =	sst s4  }
0xd: {  	[smem:$0x3FAF] =	sst s5  }
0xe: {  	[smem:$0x3FB0] =	sst s6  }
0xf: {  	[smem:$0x3FB1] =	sst s7  }
0x10: {  	[smem:$0x3FB2] =	sst s8  }
0x11: {  	[smem:$0x3FB3] =	sst s9;
	s0 =	simm.s32 @!p0 $0x0  }
0x12: {  	s1 =	sld [smem:$0x3F99];
	s0 =	simm.s32 @p0 $0x1  }
0x13: {  	[smem:$0x3FB4] =	sst s0;
	s0 =	simm.s32 @!p1 $0x0  }
0x14: {  	s2 =	sld [smem:$0x3F98];
	s0 =	simm.s32 @p1 $0x1  }
0x15: {  	[smem:$0x3FB5] =	sst s0;
	s0 =	simm.s32 @!p2 $0x0  }
0x16: {  	s3 =	sld [smem:$0x3FDB];
	s0 =	simm.s32 @p2 $0x1  }
0x17: {  	s4 =	simm.s32 $0x1BF5;
	[smem:$0x3FB7] =	sst s0  }
0x18: {  	s0 =	sld [smem:$0x3F9A];
	_ =	swait.ge [sflag:s4], $0x0  }
0x19: {  	s7 =	sld [smem:$0x3F9B]  }
0x1a: {  	s8 =	sadd.s32 $0xFFFFE003, lr  }
0x1b: {  	s9 =	sadd.s32 $0xFFFFFEF7, lr;
	s5 =	simm.s32 $0xFFFFFFFF;
	p2 =	slt.u32 s8, $0xFFFFF086  }
0x1c: {  	p1 =	slt.u32 s9, $0xF7A;
	s5 =	simm.s32 @!p2 $0x0  }
0x1d: {  	s5 =	simm.s32 @p1 $0x1;
	p0 =	seq.s32 s7, s2  }
0x1e: {  	s7 =	smul.u32 @!p0 $0xF7A, s2;
	p2 =	seq.s32 @!p0 s5, $0x0  }
0x1f: {  	s9 =	smul.u32 $0xF7A, s1;
	s8 =	simm.s32 @!p0 $0x1BF5;
	p2 =	por !p2, p0  }
0x20: {  	[sflag:s8] =	ssyncset.s32 @!p0 $0xFFFFF086;
	s6 =	sadd.s32 @!p0 s3, s7;
	s7 =	simm.s32 @!p0 $0x108  }
0x21: {  	s3 =	sadd.s32 s3, s9;
	s6 =	sadd.s32 @!p0 $0x88, s6;
	s7 =	simm.s32 @p2 $0x1082  }
0x22: {  	[simem:s7], [sflag:s8] =	dma.local @!p0 [hbm:s6], $0xF7A  }
0x23: {  	s9 =	sor.u32 $0xD0000000, s2;
	s6 =	simm.s32 $0x108;
	_ =	swait.ge @!p0 [sflag:s8], $0x0  }
0x24: {  	s3 =	sadd.s32 $0x88, s3;
	s6 =	simm.s32 @!p1 $0x1082;
	[sflag:s4] =	ssyncset.s32 $0xFFFFF086  }
0x25: {  	[simem:s6], [sflag:s4] =	dma.local [hbm:s3], $0xF7A  }
0x26: {  	[smem:$0x3F9B] =	sst s1;
	(tag) =	ssettag s2;
	_ =	strace s9  }
0x27: {  	s1 =	sld [smem:$0x3FAB]  }
0x28: {  	s2 =	sld [smem:$0x3FAC]  }
0x29: {  	s4 =	sld [smem:$0x3FAE]  }
0x2a: {  	p0 =	seq.s32 s5, $0x0;
	s5 =	sld [smem:$0x3FAF]  }
0x2b: {  	s6 =	sld [smem:$0x3FB0]  }
0x2c: {  	s7 =	sld [smem:$0x3FB1]  }
0x2d: {  	s3 =	simm.s32 $0x108;
	s8 =	sld [smem:$0x3FB2]  }
0x2e: {  	s3 =	simm.s32 @!p0 $0x1082;
	s9 =	sld [smem:$0x3FB3]  }
0x2f: {  	lr =	sadd.s32 s0, s3;
	s0 =	sld [smem:$0x3FAA]  }
0x30: {  	s3 =	sld [smem:$0x3FAD]  }
0x31: {  	[smem:$0x3FB6] =	sst s10  }
0x32: {  	s10 =	sld [smem:$0x3FB4];
	_ =	sdelay $0x3  }
0x33: {  	p0 =	seq.s32 s10, $0x1;
	s10 =	sld [smem:$0x3FB6];
	_ =	sdelay $0x3  }
0x34: {  	[smem:$0x3FB6] =	sst s10  }
0x35: {  	s10 =	sld [smem:$0x3FB5];
	_ =	sdelay $0x3  }
0x36: {  	p1 =	seq.s32 s10, $0x1;
	s10 =	sld [smem:$0x3FB6];
	_ =	sdelay $0x3  }
0x37: {  	[smem:$0x3FB6] =	sst s10  }
0x38: {  	s10 =	sld [smem:$0x3FB7]  }
0x39: {  	_ = 	snop;
	(pc) =	sbr.ind lr, $3  }
0x3a: {  	_ = 	snop  }
0x3b: {  	_ = 	snop  }
0x3c: {  	p2 =	seq.s32 s10, $0x1;
	s10 =	sld [smem:$0x3FB6]  }
0x3d: {  	_ =	shalt  }
0x3e: {  	_ =	shalt  }
0x3f: {  	_ =	shalt  }
0x40: {  	_ =	shalt  }
0x41: {  	_ =	shalt  }
0x42: {  	_ =	shalt  }
0x43: {  	_ =	shalt  }
0x44: {  	_ =	shalt  }
0x45: {  	_ =	shalt  }
0x46: {  	_ =	shalt  }
0x47: {  	_ =	shalt  }
0x48: {  	_ =	shalt  }
0x49: {  	_ =	shalt  }
0x4a: {  	_ =	shalt  }
0x4b: {  	_ =	shalt  }
0x4c: {  	_ =	shalt  }
0x4d: {  	_ =	shalt  }
0x4e: {  	_ =	shalt  }
0x4f: {  	_ =	shalt  }
0x50: {  	_ =	shalt  }
0x51: {  	_ =	shalt  }
0x52: {  	_ =	shalt  }
0x53: {  	_ =	shalt  }
0x54: {  	_ =	shalt  }
0x55: {  	_ =	shalt  }
0x56: {  	_ =	shalt  }
0x57: {  	_ =	shalt  }
0x58: {  	_ =	shalt  }
0x59: {  	_ =	shalt  }
0x5a: {  	_ =	shalt  }
0x5b: {  	_ =	shalt  }
0x5c: {  	_ =	shalt  }
0x5d: {  	_ =	shalt  }
0x5e: {  	_ =	shalt  }
0x5f: {  	_ =	shalt  }
0x60: {  	_ =	shalt  }
0x61: {  	_ =	shalt  }
0x62: {  	_ =	shalt  }
0x63: {  	_ =	shalt  }
0x64: {  	_ =	shalt  }
0x65: {  	_ =	shalt  }
0x66: {  	_ =	shalt  }
0x67: {  	_ =	shalt  }
0x68: {  	_ =	shalt  }
0x69: {  	_ =	shalt  }
0x6a: {  	_ =	shalt  }
0x6b: {  	_ =	shalt  }
0x6c: {  	_ =	shalt  }
0x6d: {  	_ =	shalt  }
0x6e: {  	_ =	shalt  }
0x6f: {  	_ =	shalt  }
0x70: {  	_ =	shalt  }
0x71: {  	_ =	shalt  }
0x72: {  	_ =	shalt  }
0x73: {  	_ =	shalt  }
0x74: {  	_ =	shalt  }
0x75: {  	_ =	shalt  }
0x76: {  	_ =	shalt  }
0x77: {  	_ =	shalt  }
0x78: {  	_ =	shalt  }
0x79: {  	_ =	shalt  }
0x7a: {  	_ =	shalt  }
0x7b: {  	_ =	shalt  }
0x7c: {  	_ =	shalt  }
0x7d: {  	_ =	shalt  }
0x7e: {  	_ =	shalt  }
0x7f: {  	_ =	shalt  }
0x80: {  	_ =	shalt  }
0x81: {  	_ =	shalt  }
0x82: {  	_ =	shalt  }
0x83: {  	_ =	shalt  }
0x84: {  	_ =	shalt  }
0x85: {  	_ =	shalt  }
0x86: {  	_ =	shalt  }
0x87: {  	_ =	shalt  }
.Lfunc_end0:
.L_simem_size_0:
called_computation.1_lowered:
.L_overlay_start_0:
0x88: {  	s2 =	sld [smem:$0x3FD9]  }
0x89: {  	s3 =	sld [smem:$0x3FFE];
	_ =	sdelay $0x1  }
0x8a: {  	s1 =	srdreg.scid  }
0x8b: {  	s0 =	sand.u32 $0x1, s1  }
0x8c: {  	s17 =	sshll.u32 s0, $0xA;
	s2 =	sadd.s32 s3, s2  }
0x8d: {  	s2 =	sadd.s32 s2, s17  }
0x8e: {  	[smem:$0x3FC2] =	sst s2  }
0x8f: {  	_ = 	snop  }
0x90: {  	s2 =	sld [smem:$0x3FD0];
	(tm) =	ssettm $0x1  }
0x91: {  	s18 =	sld [smem:$0x3FFB];
	_ =	sdelay $0x3  }
0x92: {  	_ =	strace s18  }
0x93: {  	s3 =	sld [smem:$0x3FFC];
	_ =	sdelay $0x3  }
0x94: {  	_ =	strace s3  }
0x95: {  	s3 =	sld [smem:$0x3FFD];
	_ =	sdelay $0x3  }
0x96: {  	_ =	strace s3  }
0x97: {  	_ =	strace $0x8FFFFFFF  }
0x98: {  	s19 =	sld [smem:$0x3FDB];
	_ =	sdelay $0x1  }
0x99: {  	s4 =	simm.s32 $_scs_section_size  }
0x9a: {  	s5 =	simm.s32 $_size__tile_overlayer_lowered;
	s6 =	simm.s32 $_tile_overlayer_lowered  }
0x9b: {  	s22 =	simm.s32 $0x1BFF;
	s21 =	sshll.u32 s6, $0x1;
	s3 =	sadd.s32 s4, s19  }
0x9c: {  	s7 =	simm.s32 $0x0;
	s20 =	sshll.u32 s5, $0x1;
	s5 =	sadd.s32 s21, s3  }
0x9d: {  	[timem:s7], [sflag:s22] =	dma.local [hbm:s5], s20  }
0x9e: {  	_ =	swait.ge [sflag:s22], s20  }
0x9f: {  	s4 =	ssub.s32 $0x0, s20;
	[sflag:s22] =	ssyncset.done $0x0  }
0xa0: {  	[sflag:s22] =	ssyncadd.s32 s4;
	_ =	sdelay $0x1  }
0xa1: {  	s23 =	simm.s32 $0x1B8B  }
0xa2: {  	_ =	swait.ge [sflag:s23], $0x1  }
0xa3: {  	[sflag:s23] =	ssyncset.done $0x0  }
0xa4: {  	s25 =	simm.s32 $0x1B8E;
	s24 =	sld [smem:$0x3FFE];
	[sflag:s23] =	ssyncadd.s32 $0xFFFFFFFF  }
0xa5: {  	s26 =	simm.s32 $execute0_lowered;
	[smem:$0x3FD2] =	sst s25  }
0xa6: {  	s5 =	sshll.u32 s26, $0x1;
	_ =	strace $0x80000049;
	[dreg:$0x1] =	wrdreg $0xFFFFFFFF  }
0xa7: {  	s28 =	simm.s32 $_size_execute0_lowered;
	s3 =	sadd.s32 s3, s5;
	[dreg:$0x0] =	wrdreg $0x0  }
0xa8: {  	s5 =	sshll.u32 s28, $0x1;
	[dreg:$0x2] =	wrdreg s3  }
0xa9: {  	[dreg:$0x3] =	wrdreg s5  }
0xaa: {  	[dreg:$0x4] =	wrdreg $0xC0  }
0xab: {  	_ =	task [dreg:s7], $0x5FFFF  }
0xac: {  	[dreg:$0x1] =	wrdreg $0xFFFFFFFF  }
0xad: {  	[dreg:$0x0] =	wrdreg $0x60  }
0xae: {  	[dreg:$0x2] =	wrdreg s24  }
0xaf: {  	[dreg:$0x3] =	wrdreg s2  }
0xb0: {  	[dreg:$0x4] =	wrdreg $0x0  }
0xb1: {  	[dreg:$0x5] =	wrdreg $0x9  }
0xb2: {  	_ =	task.clear_ibuf [dreg:s7], $0x6FFFF;
	_ =	strace $0x90000049  }
0xb3: {  	s29 =	simm.s32 $0x9;
	_ =	strace $0x8000004B  }
0xb4: {  	_ =	swait.ge [sflag:s29], $0x1  }
0xb5: {  	[sflag:s29] =	ssyncadd.s32 $0xFFFFFFFF  }
0xb6: {  	_ =	strace $0x9000004B  }
0xb7: {  	_ =	sfence  }
0xb8: {  	s30 =	sld [smem:$0x0];
	_ =	sdelay $0x2  }
0xb9: {  	s31 =	sshll.u32 s1, $0xD;
	s1 =	sshrl.u32 s1, $0x2  }
0xba: {  	s3 =	sand.u32 $0x4000, s31;
	s1 =	sadd.s32 s1, s30  }
0xbb: {  	s0 =	sor.u32 s3, s0;
	s1 =	sshll.u32 s1, $0x11  }
0xbc: {  	s0 =	sor.u32 s1, s0  }
0xbd: {  	s0 =	sadd.s32 $0x8F2B, s0  }
0xbe: {  	[sflag:s0] =	ssyncadd.remote.s32 $0x1  }
0xbf: {  	_ =	sfence.sel $0xFFFF  }
0xc0: {  	[dreg:$0x0] =	wrdreg $0xFFFFFFFF;
	(pc) =	sbr.abs _section_cstart, $3  }
0xc1: {  	[dreg:$0x1] =	wrdreg $0xFFFFFFFF  }
0xc2: {  	_ =	task.clear_ibuf [dreg:s7], $0x2FFFF;
	_ =	strace $0x9FFFFFFF  }
0xc3: {  	(tm) =	ssettm $0x7FFFFFFF  }
tec
execute0_lowered:
.L_overlay_start_1:
0x0: {  	(tag) =	ssettag $0x1  }
0x1: {  	s6 =	rddreg [dreg:$0x0]  }
0x2: {  	s0 =	srdreg.scid;
	s1 =	rddreg [dreg:$0x1]  }
0x3: {  	s12 =	stileid.u32;
	s2 =	rddreg [dreg:$0x2]  }
0x4: {  	s16 =	simm.s32 $0x7;
	s17 =	simm.s32 $0x1;
	s18 =	simm.s32 $0x2  }
0x5: {  	s19 =	simm.s32 $0x50;
	s20 =	simm.s32 $0x18780;
	s22 =	simm.s32 $0x1AF80  }
0x6: {  	s28 =	simm.s32 $0x3;
	s29 =	simm.s32 $0x5;
	s30 =	simm.s32 $0x6  }
0x7: {  	s31 =	simm.s32 $0x0;
	s0 =	sand.u32 $0x1, s0;
	s7 =	smul.u32 $0x13800, s12  }
0x8: {  	s10 =	smul.u32 $0x4E000, s12;
	s11 =	sadd.s32 $0x3CE00, s6;
	s25 =	sshll.u32 s12, $0x6  }
0x9: {  	s15 =	sadd.s32 $0x138000, s2;
	p0 =	sne.s32 s12, $0x0;
	s3 =	sshll.u32 s0, $0x4  }
0xa: {  	s23 =	ssub.s32 $0x2, s0;
	s0 =	smul.u32 $0x138800, s0;
	s4 =	sor.u32 s12, s3  }
0xb: {  	s3 =	simm.s32 $0x0;
	s5 =	sshrl.u32 s7, $0x3;
	s9 =	sshrl.u32 s23, $0x1  }
0xc: {  	s24 =	sshrl.u32 s10, $0x2;
	s4 =	smul.u32 $0x4E2, s4;
	[smem:$0x7FF] =	sst s3  }
0xd: {  	s5 =	sadd.s32 s5, s6;
	s13 =	ssub.s32 s23, s9;
	s14 =	sadd.s32 s24, s2  }
0xe: {  	s26 =	sadd.s32 s7, s0;
	s0 =	sshrl.u32 s0, $0x3;
	s24 =	simm.s32 $0x1D780  }
0xf: {  	_ =	strace $0x8000004A;
	s9 =	sshrl.u32 s26, $0x3;
	s0 =	sadd.s32 s11, s0  }
0x10: {  	s12 =	sshrl.u32 s14, $0x3;
	s14 =	simm.s32 $0x13880;
	s26 =	simm.s32 $0x4  }
0x11: {  	s8 =	sadd.s32 s4, s6;
	s4 =	sadd.s32 $0x15C00, s5;
	s5 =	sor.u32 $0x1C07, s25  }
0x12: {  	s6 =	sadd.s32 $0x3CC00, s6;
	s9 =	sadd.s32 s11, s9;
	s10 =	sadd.s32 $0x27000, s0  }
0x13: {  	s11 =	smax.u32 s13, $0x1;
	s13 =	sshrl.u32 @!p0 s15, $0x3;
	s15 =	simm.s32 $0x16000  }
0x14: {  	s25 =	simm.s32 $0x186C0;
	s7 =	sadd.s32 $0xBE00, s8;
	s8 =	sadd.s32 $0x2000, s8  }
.LBB2_1:
0x15: {  	[spmem:s12], [sflag:s5] =	dma.local [hbm:s4], $0x2700  }
0x16: {  	[spmem:s13], [sflag:s5] =	dma.local @!p0 [hbm:s6], $0x100  }
0x17: {  	[tilespmem:s14], [sflag:$0x1] =	stream.linear.gather [hbm4b:s7+s3], $0x2710, $0x38;
	[tilespmem:$0x1FF80] =	vst v63  }
0x18: {  	_ = 	snop  }
0x19: {  	[tilespmem:s15], [sflag:$0x2] =	stream.linear.gather [hbm4b:s8+s3], $0x2710, $0x38;
	[tilespmem:$0x1FF80] =	vst v63  }
0x1a: {  	_ =	swait.ge [sflag:s16], $0x2700  }
0x1b: {  	[sflag:s16] =	ssyncset.done $0x0  }
0x1c: {  	s0 =	simm.s32 @!p0 $0x7;
	[sflag:s16] =	ssyncadd.s32 $0xFFFFD900  }
0x1d: {  	_ =	swait.ge @!p0 [sflag:s0], $0x100  }
0x1e: {  	[sflag:s0] =	ssyncset.done @!p0 $0x0  }
0x1f: {  	[sflag:s0] =	ssyncadd.s32 @!p0 $0xFFFFFF00  }
0x20: {  	_ =	swait.ge [sflag:s17], $0x2710  }
0x21: {  	[sflag:s17] =	ssyncset.done $0x0  }
0x22: {  	[sflag:s17] =	ssyncadd.s32 $0xFFFFD8F0  }
0x23: {  	_ =	swait.ge [sflag:s18], $0x2710  }
0x24: {  	[sflag:s18] =	ssyncset.done $0x0  }
0x25: {  	[sflag:s18] =	ssyncadd.s32 $0xFFFFD8F0  }
0x26: {  	[bflag:$0x0] =	sbarrier.arrive $0xFFFF  }
0x27: {  	[tilespmem:s20], [sflag:$0x1] =	stream.indirect.gather [hbm4b:s1+s19], $0x80, s14, s19, $0xb8;
	[tilespmem:$0x1FF80] =	vst v63  }
0x28: {  	s21 =	simm.s32 $0x138D0  }
0x29: {  	[tilespmem:s22], [sflag:$0x2] =	stream.indirect.gather [hbm4b:s1+s19], $0x80, s21, s19, $0xb8;
	[tilespmem:$0x1FF80] =	vst v63  }
0x2a: {  	_ =	swait.ge [sflag:s17], $0x2800  }
0x2b: {  	[sflag:s17] =	ssyncset.done $0x0  }
0x2c: {  	[sflag:s17] =	ssyncadd.s32 $0xFFFFD800  }
0x2d: {  	[spmem:s2] =	stream.indirect.scatter.add.f32 [tilespmem:s20], [sflag:$0x4], $0x80, s15, s19, $0xb8;
	[tilespmem:$0x1FF80] =	vst v63  }
0x2e: {  	s23 =	simm.s32 $0x13920  }
0x2f: {  	[tilespmem:s24], [sflag:$0x3] =	stream.indirect.gather [hbm4b:s1+s19], $0x80, s23, s19, $0xb8;
	[tilespmem:$0x1FF80] =	vst v63  }
0x30: {  	_ =	swait.ge [sflag:s18], $0x2800  }
0x31: {  	[sflag:s18] =	ssyncset.done $0x0  }
0x32: {  	s21 =	simm.s32 $0x16050;
	[sflag:s18] =	ssyncadd.s32 $0xFFFFD800  }
0x33: {  	[spmem:s2] =	stream.indirect.scatter.add.f32 [tilespmem:s22], [sflag:$0x5], $0x80, s21, s19, $0xb8;
	[tilespmem:$0x1FF80] =	vst v63  }
0x34: {  	_ =	swait.ge [sflag:s26], $0x2800  }
0x35: {  	[sflag:s26] =	ssyncset.done $0x0  }
0x36: {  	s23 =	simm.s32 $0x13970;
	[sflag:s26] =	ssyncadd.s32 $0xFFFFD800  }
0x37: {  	[tilespmem:s20], [sflag:$0x1] =	stream.indirect.gather [hbm4b:s1+s19], $0x80, s23, s19, $0xb8;
	[tilespmem:$0x1FF80] =	vst v63  }
0x38: {  	_ =	swait.ge [sflag:s28], $0x2800  }
0x39: {  	[sflag:s28] =	ssyncset.done $0x0  }
0x3a: {  	s21 =	simm.s32 $0x160A0;
	[sflag:s28] =	ssyncadd.s32 $0xFFFFD800  }
0x3b: {  	[spmem:s2] =	stream.indirect.scatter.add.f32 [tilespmem:s24], [sflag:$0x6], $0x80, s21, s19, $0xb8;
	[tilespmem:$0x1FF80] =	vst v63  }
0x3c: {  	_ =	swait.ge [sflag:s29], $0x2800  }
0x3d: {  	[sflag:s29] =	ssyncset.done $0x0  }
0x3e: {  	s23 =	simm.s32 $0x139C0;
	[sflag:s29] =	ssyncadd.s32 $0xFFFFD800  }
0x3f: {  	[tilespmem:s22], [sflag:$0x2] =	stream.indirect.gather [hbm4b:s1+s19], $0x80, s23, s19, $0xb8;
	[tilespmem:$0x1FF80] =	vst v63  }
0x40: {  	_ =	swait.ge [sflag:s17], $0x2800  }
0x41: {  	[sflag:s17] =	ssyncset.done $0x0  }
0x42: {  	s21 =	simm.s32 $0x160F0;
	[sflag:s17] =	ssyncadd.s32 $0xFFFFD800  }
0x43: {  	[spmem:s2] =	stream.indirect.scatter.add.f32 [tilespmem:s20], [sflag:$0x4], $0x80, s21, s19, $0xb8;
	[tilespmem:$0x1FF80] =	vst v63  }
0x44: {  	_ =	swait.ge [sflag:s30], $0x2800  }
0x45: {  	[sflag:s30] =	ssyncset.done $0x0  }
0x46: {  	s23 =	simm.s32 $0x13A10;
	[sflag:s30] =	ssyncadd.s32 $0xFFFFD800  }
0x47: {  	[tilespmem:s24], [sflag:$0x3] =	stream.indirect.gather [hbm4b:s1+s19], $0x80, s23, s19, $0xb8;
	[tilespmem:$0x1FF80] =	vst v63  }
0x48: {  	_ =	swait.ge [sflag:s18], $0x2800  }
0x49: {  	[sflag:s18] =	ssyncset.done $0x0  }
0x4a: {  	s0 =	simm.s32 $0x3C0;
	s21 =	simm.s32 $0x16140;
	[sflag:s18] =	ssyncadd.s32 $0xFFFFD800  }
.LBB2_2:
0x4b: {  	[spmem:s2] =	stream.indirect.scatter.add.f32 [tilespmem:s22], [sflag:$0x5], $0x80, s21, s19, $0xb8;
	[tilespmem:$0x1FF80] =	vst v63  }
0x4c: {  	s21 =	smov.u32 s0  }
0x4d: {  	p1 =	sne.s32 s0, $0x9240;
	s0 =	sadd.s32 $0x3C0, s0;
	_ =	swait.ge [sflag:s26], $0x2800  }
0x4e: {  	s21 =	sshra.s32 s21, $0x2;
	[sflag:s26] =	ssyncset.done $0x0  }
0x4f: {  	s23 =	sadd.s32 $0x13970, s21;
	[sflag:s26] =	ssyncadd.s32 $0xFFFFD800  }
0x50: {  	[tilespmem:s20], [sflag:$0x1] =	stream.indirect.gather [hbm4b:s1+s19], $0x80, s23, s19, $0xb8;
	[tilespmem:$0x1FF80] =	vst v63  }
0x51: {  	_ =	swait.ge [sflag:s28], $0x2800  }
0x52: {  	[sflag:s28] =	ssyncset.done $0x0  }
0x53: {  	s23 =	sadd.s32 $0x160A0, s21;
	[sflag:s28] =	ssyncadd.s32 $0xFFFFD800  }
0x54: {  	[spmem:s2] =	stream.indirect.scatter.add.f32 [tilespmem:s24], [sflag:$0x6], $0x80, s23, s19, $0xb8;
	[tilespmem:$0x1FF80] =	vst v63  }
0x55: {  	_ =	swait.ge [sflag:s29], $0x2800  }
0x56: {  	[sflag:s29] =	ssyncset.done $0x0  }
0x57: {  	s23 =	sadd.s32 $0x139C0, s21;
	[sflag:s29] =	ssyncadd.s32 $0xFFFFD800  }
0x58: {  	[tilespmem:s22], [sflag:$0x2] =	stream.indirect.gather [hbm4b:s1+s19], $0x80, s23, s19, $0xb8;
	[tilespmem:$0x1FF80] =	vst v63  }
0x59: {  	_ =	swait.ge [sflag:s17], $0x2800  }
0x5a: {  	[sflag:s17] =	ssyncset.done $0x0  }
0x5b: {  	s23 =	sadd.s32 $0x160F0, s21;
	[sflag:s17] =	ssyncadd.s32 $0xFFFFD800  }
0x5c: {  	[spmem:s2] =	stream.indirect.scatter.add.f32 [tilespmem:s20], [sflag:$0x4], $0x80, s23, s19, $0xb8;
	[tilespmem:$0x1FF80] =	vst v63  }
0x5d: {  	_ =	swait.ge [sflag:s30], $0x2800  }
0x5e: {  	[sflag:s30] =	ssyncset.done $0x0  }
.Ltmp0:
0x5f: {  	s23 =	sadd.s32 $0x13A10, s21;
	[sflag:s30] =	ssyncadd.s32 $0xFFFFD800;
	(pc) =	sbr.rel @p1 .LBB2_2-.Ltmp0, $4  }
0x60: {  	[tilespmem:s24], [sflag:$0x3] =	stream.indirect.gather [hbm4b:s1+s19], $0x80, s23, s19, $0xb8;
	[tilespmem:$0x1FF80] =	vst v63  }
0x61: {  	_ =	swait.ge [sflag:s18], $0x2800  }
0x62: {  	[sflag:s18] =	ssyncset.done $0x0  }
0x63: {  	s21 =	sadd.s32 $0x16140, s21;
	[sflag:s18] =	ssyncadd.s32 $0xFFFFD800  }
0x64: {  	[spmem:s2] =	stream.indirect.scatter.add.f32 [tilespmem:s22], [sflag:$0x5], $0x80, s21, s19, $0xb8;
	[tilespmem:$0x1FF80] =	vst v63  }
0x65: {  	_ =	swait.ge [sflag:s26], $0x2800  }
0x66: {  	[sflag:s26] =	ssyncset.done $0x0  }
0x67: {  	s0 =	simm.s32 $0x15EF0;
	[sflag:s26] =	ssyncadd.s32 $0xFFFFD800  }
0x68: {  	[tilespmem:s20], [sflag:$0x1] =	stream.indirect.gather [hbm4b:s1+s19], $0x80, s0, s19, $0xb8;
	[tilespmem:$0x1FF80] =	vst v63  }
0x69: {  	_ =	swait.ge [sflag:s28], $0x2800  }
0x6a: {  	[sflag:s28] =	ssyncset.done $0x0  }
0x6b: {  	s23 =	simm.s32 $0x18620;
	[sflag:s28] =	ssyncadd.s32 $0xFFFFD800  }
0x6c: {  	[spmem:s2] =	stream.indirect.scatter.add.f32 [tilespmem:s24], [sflag:$0x6], $0x80, s23, s19, $0xb8;
	[tilespmem:$0x1FF80] =	vst v63  }
0x6d: {  	_ =	swait.ge [sflag:s29], $0x2800  }
0x6e: {  	[sflag:s29] =	ssyncset.done $0x0  }
0x6f: {  	s21 =	simm.s32 $0x15F40;
	[sflag:s29] =	ssyncadd.s32 $0xFFFFD800  }
0x70: {  	[tilespmem:s22], [sflag:$0x2] =	stream.indirect.gather [hbm4b:s1+s19], $0x80, s21, s19, $0xb8;
	[tilespmem:$0x1FF80] =	vst v63  }
0x71: {  	_ =	swait.ge [sflag:s17], $0x2800  }
0x72: {  	[sflag:s17] =	ssyncset.done $0x0  }
0x73: {  	s23 =	simm.s32 $0x18670;
	[sflag:s17] =	ssyncadd.s32 $0xFFFFD800  }
0x74: {  	[spmem:s2] =	stream.indirect.scatter.add.f32 [tilespmem:s20], [sflag:$0x4], $0x80, s23, s19, $0xb8;
	[tilespmem:$0x1FF80] =	vst v63  }
0x75: {  	_ =	swait.ge [sflag:s30], $0x2800  }
0x76: {  	[sflag:s30] =	ssyncset.done $0x0  }
0x77: {  	[sflag:s30] =	ssyncadd.s32 $0xFFFFD800  }
0x78: {  	_ =	swait.ge [sflag:s18], $0x2800  }
0x79: {  	[sflag:s18] =	ssyncset.done $0x0  }
0x7a: {  	[sflag:s18] =	ssyncadd.s32 $0xFFFFD800  }
0x7b: {  	[spmem:s2] =	stream.indirect.scatter.add.f32 [tilespmem:s22], [sflag:$0x5], $0x80, s25, s19, $0xb8;
	[tilespmem:$0x1FF80] =	vst v63  }
0x7c: {  	_ =	swait.ge [sflag:s26], $0x2800  }
0x7d: {  	[sflag:s26] =	ssyncset.done $0x0  }
0x7e: {  	[sflag:s26] =	ssyncadd.s32 $0xFFFFD800  }
0x7f: {  	_ =	swait.ge [sflag:s29], $0x2800  }
0x80: {  	[sflag:s29] =	ssyncset.done $0x0  }
0x81: {  	[sflag:s29] =	ssyncadd.s32 $0xFFFFD800  }
0x82: {  	s0 =	simm.s32 @p0 $0x7;
	[bflag:$0x0] =	sbarrier.arrive $0xFFFF  }
0x83: {  	[hbm:s9], [sflag:s5] =	dma.local [spmem:s12], $0x2700  }
0x84: {  	_ =	swait.ge @p0 [sflag:s0], $0x2700  }
0x85: {  	[sflag:s0] =	ssyncset.done @p0 $0x0  }
0x86: {  	s31 =	sadd.s32 $0x1, s31;
	[sflag:s0] =	ssyncadd.s32 @p0 $0xFFFFD900;
	s0 =	simm.s32 @!p0 $0x7  }
0x87: {  	[hbm:s10], [sflag:s5] =	dma.local @!p0 [spmem:s13], $0x100  }
0x88: {  	p1 =	sne.s32 s31, s11;
	_ =	swait.ge @!p0 [sflag:s0], $0x2700  }
.Ltmp1:
0x89: {  	[sflag:s0] =	ssyncset.done @!p0 $0x0;
	(pc) =	sbr.rel @p1 .LBB2_1-.Ltmp1, $4  }
0x8a: {  	[sflag:s0] =	ssyncadd.s32 @!p0 $0xFFFFD900  }
0x8b: {  	_ =	swait.ge @!p0 [sflag:s0], $0x100  }
0x8c: {  	[sflag:s0] =	ssyncset.done @!p0 $0x0  }
0x8d: {  	[sflag:s0] =	ssyncadd.s32 @!p0 $0xFFFFFF00  }
0x8e: {  	_ =	sfence.sel $0x180000  }
0x8f: {  	[bflag:$0x0] =	sbarrier.arrive $0xFFFF  }
0x90: {  	_ =	strace $0x9000004A  }
0x91: {  	[bflag:$0x2] =	sbarrier.arrive $0xFFFF  }
0x92: {  	s0 =	rddreg [dreg:$0x3]  }
0x93: {  	s0 =	sadd.s32 @!p0 $0x100000, s0  }
0x94: {  	[sflag:s0] =	ssyncadd.tile.s32 @!p0 $0x1;
	_ =	shalt  }
.Lfunc_end2:
_tile_overlayer_lowered:
.L_overlay_start_2:
0x95: {  	(tag) =	ssettag $0x2  }
0x96: {  	s0 =	rddreg [dreg:$0x0];
	s2 =	stileid.u32  }
0x97: {  	s1 =	rddreg [dreg:$0x1];
	p0 =	sne.s32 s2, $0x0  }
0x98: {  	s3 =	rddreg [dreg:$0x2];
	[bflag:$0x3] =	sbarrier.arrive $0xFFFF;
	s2 =	simm.s32 @!p0 $0x1C08  }
0x99: {  	[timem:s3], [sflag:s2] =	dma.local @!p0 [hbm:s0], s1  }
0x9a: {  	s0 =	simm.s32 @!p0 $0x8  }
0x9b: {  	_ =	swait.ge @!p0 [sflag:s0], s1  }
0x9c: {  	s1 =	ssub.s32 @!p0 $0x0, s1;
	[sflag:s0] =	ssyncset.done @!p0 $0x0  }
0x9d: {  	[sflag:s0] =	ssyncadd.s32 @!p0 s1  }
0x9e: {  	[bflag:$0x3] =	sbarrier.arrive $0xFFFF  }
0x9f: {  	_ =	shalt  }

// kernel: kernel.14.cloned.1.call-start
scs
__scs_entry_jumppad:
0x0: {  	(pc) =	sbr.rel $0x88, $3  }
0x1: {  	(tag) =	ssettag $0x0;
	lr =	simm.s32 $0x1  }
0x2: {  	[smem:$0x3F9B] =	sst lr;
	_ =	strace $0xD0000000  }
0x3: {  	_ = 	snop  }
0x4: {  	_ = 	snop  }
0x5: {  	_ = 	snop  }
0x6: {  	_ = 	snop  }
0x7: {  	_ = 	snop  }
__scs_overlays_trampoline_lowered:
0x8: {  	[smem:$0x3FAA] =	sst s0  }
0x9: {  	[smem:$0x3FAB] =	sst s1  }
0xa: {  	[smem:$0x3FAC] =	sst s2  }
0xb: {  	[smem:$0x3FAD] =	sst s3  }
0xc: {  	[smem:$0x3FAE] =	sst s4  }
0xd: {  	[smem:$0x3FAF] =	sst s5  }
0xe: {  	[smem:$0x3FB0] =	sst s6  }
0xf: {  	[smem:$0x3FB1] =	sst s7  }
0x10: {  	[smem:$0x3FB2] =	sst s8  }
0x11: {  	[smem:$0x3FB3] =	sst s9;
	s0 =	simm.s32 @!p0 $0x0  }
0x12: {  	s1 =	sld [smem:$0x3F99];
	s0 =	simm.s32 @p0 $0x1  }
0x13: {  	[smem:$0x3FB4] =	sst s0;
	s0 =	simm.s32 @!p1 $0x0  }
0x14: {  	s2 =	sld [smem:$0x3F98];
	s0 =	simm.s32 @p1 $0x1  }
0x15: {  	[smem:$0x3FB5] =	sst s0;
	s0 =	simm.s32 @!p2 $0x0  }
0x16: {  	s3 =	sld [smem:$0x3FDB];
	s0 =	simm.s32 @p2 $0x1  }
0x17: {  	s4 =	simm.s32 $0x1BF5;
	[smem:$0x3FB7] =	sst s0  }
0x18: {  	s0 =	sld [smem:$0x3F9A];
	_ =	swait.ge [sflag:s4], $0x0  }
0x19: {  	s7 =	sld [smem:$0x3F9B]  }
0x1a: {  	s8 =	sadd.s32 $0xFFFFE003, lr  }
0x1b: {  	s9 =	sadd.s32 $0xFFFFFEF7, lr;
	s5 =	simm.s32 $0xFFFFFFFF;
	p2 =	slt.u32 s8, $0xFFFFF086  }
0x1c: {  	p1 =	slt.u32 s9, $0xF7A;
	s5 =	simm.s32 @!p2 $0x0  }
0x1d: {  	s5 =	simm.s32 @p1 $0x1;
	p0 =	seq.s32 s7, s2  }
0x1e: {  	s7 =	smul.u32 @!p0 $0xF7A, s2;
	p2 =	seq.s32 @!p0 s5, $0x0  }
0x1f: {  	s9 =	smul.u32 $0xF7A, s1;
	s8 =	simm.s32 @!p0 $0x1BF5;
	p2 =	por !p2, p0  }
0x20: {  	[sflag:s8] =	ssyncset.s32 @!p0 $0xFFFFF086;
	s6 =	sadd.s32 @!p0 s3, s7;
	s7 =	simm.s32 @!p0 $0x108  }
0x21: {  	s3 =	sadd.s32 s3, s9;
	s6 =	sadd.s32 @!p0 $0x88, s6;
	s7 =	simm.s32 @p2 $0x1082  }
0x22: {  	[simem:s7], [sflag:s8] =	dma.local @!p0 [hbm:s6], $0xF7A  }
0x23: {  	s9 =	sor.u32 $0xD0000000, s2;
	s6 =	simm.s32 $0x108;
	_ =	swait.ge @!p0 [sflag:s8], $0x0  }
0x24: {  	s3 =	sadd.s32 $0x88, s3;
	s6 =	simm.s32 @!p1 $0x1082;
	[sflag:s4] =	ssyncset.s32 $0xFFFFF086  }
0x25: {  	[simem:s6], [sflag:s4] =	dma.local [hbm:s3], $0xF7A  }
0x26: {  	[smem:$0x3F9B] =	sst s1;
	(tag) =	ssettag s2;
	_ =	strace s9  }
0x27: {  	s1 =	sld [smem:$0x3FAB]  }
0x28: {  	s2 =	sld [smem:$0x3FAC]  }
0x29: {  	s4 =	sld [smem:$0x3FAE]  }
0x2a: {  	p0 =	seq.s32 s5, $0x0;
	s5 =	sld [smem:$0x3FAF]  }
0x2b: {  	s6 =	sld [smem:$0x3FB0]  }
0x2c: {  	s7 =	sld [smem:$0x3FB1]  }
0x2d: {  	s3 =	simm.s32 $0x108;
	s8 =	sld [smem:$0x3FB2]  }
0x2e: {  	s3 =	simm.s32 @!p0 $0x1082;
	s9 =	sld [smem:$0x3FB3]  }
0x2f: {  	lr =	sadd.s32 s0, s3;
	s0 =	sld [smem:$0x3FAA]  }
0x30: {  	s3 =	sld [smem:$0x3FAD]  }
0x31: {  	[smem:$0x3FB6] =	sst s10  }
0x32: {  	s10 =	sld [smem:$0x3FB4];
	_ =	sdelay $0x3  }
0x33: {  	p0 =	seq.s32 s10, $0x1;
	s10 =	sld [smem:$0x3FB6];
	_ =	sdelay $0x3  }
0x34: {  	[smem:$0x3FB6] =	sst s10  }
0x35: {  	s10 =	sld [smem:$0x3FB5];
	_ =	sdelay $0x3  }
0x36: {  	p1 =	seq.s32 s10, $0x1;
	s10 =	sld [smem:$0x3FB6];
	_ =	sdelay $0x3  }
0x37: {  	[smem:$0x3FB6] =	sst s10  }
0x38: {  	s10 =	sld [smem:$0x3FB7]  }
0x39: {  	_ = 	snop;
	(pc) =	sbr.ind lr, $3  }
0x3a: {  	_ = 	snop  }
0x3b: {  	_ = 	snop  }
0x3c: {  	p2 =	seq.s32 s10, $0x1;
	s10 =	sld [smem:$0x3FB6]  }
0x3d: {  	_ =	shalt  }
0x3e: {  	_ =	shalt  }
0x3f: {  	_ =	shalt  }
0x40: {  	_ =	shalt  }
0x41: {  	_ =	shalt  }
0x42: {  	_ =	shalt  }
0x43: {  	_ =	shalt  }
0x44: {  	_ =	shalt  }
0x45: {  	_ =	shalt  }
0x46: {  	_ =	shalt  }
0x47: {  	_ =	shalt  }
0x48: {  	_ =	shalt  }
0x49: {  	_ =	shalt  }
0x4a: {  	_ =	shalt  }
0x4b: {  	_ =	shalt  }
0x4c: {  	_ =	shalt  }
0x4d: {  	_ =	shalt  }
0x4e: {  	_ =	shalt  }
0x4f: {  	_ =	shalt  }
0x50: {  	_ =	shalt  }
0x51: {  	_ =	shalt  }
0x52: {  	_ =	shalt  }
0x53: {  	_ =	shalt  }
0x54: {  	_ =	shalt  }
0x55: {  	_ =	shalt  }
0x56: {  	_ =	shalt  }
0x57: {  	_ =	shalt  }
0x58: {  	_ =	shalt  }
0x59: {  	_ =	shalt  }
0x5a: {  	_ =	shalt  }
0x5b: {  	_ =	shalt  }
0x5c: {  	_ =	shalt  }
0x5d: {  	_ =	shalt  }
0x5e: {  	_ =	shalt  }
0x5f: {  	_ =	shalt  }
0x60: {  	_ =	shalt  }
0x61: {  	_ =	shalt  }
0x62: {  	_ =	shalt  }
0x63: {  	_ =	shalt  }
0x64: {  	_ =	shalt  }
0x65: {  	_ =	shalt  }
0x66: {  	_ =	shalt  }
0x67: {  	_ =	shalt  }
0x68: {  	_ =	shalt  }
0x69: {  	_ =	shalt  }
0x6a: {  	_ =	shalt  }
0x6b: {  	_ =	shalt  }
0x6c: {  	_ =	shalt  }
0x6d: {  	_ =	shalt  }
0x6e: {  	_ =	shalt  }
0x6f: {  	_ =	shalt  }
0x70: {  	_ =	shalt  }
0x71: {  	_ =	shalt  }
0x72: {  	_ =	shalt  }
0x73: {  	_ =	shalt  }
0x74: {  	_ =	shalt  }
0x75: {  	_ =	shalt  }
0x76: {  	_ =	shalt  }
0x77: {  	_ =	shalt  }
0x78: {  	_ =	shalt  }
0x79: {  	_ =	shalt  }
0x7a: {  	_ =	shalt  }
0x7b: {  	_ =	shalt  }
0x7c: {  	_ =	shalt  }
0x7d: {  	_ =	shalt  }
0x7e: {  	_ =	shalt  }
0x7f: {  	_ =	shalt  }
0x80: {  	_ =	shalt  }
0x81: {  	_ =	shalt  }
0x82: {  	_ =	shalt  }
0x83: {  	_ =	shalt  }
0x84: {  	_ =	shalt  }
0x85: {  	_ =	shalt  }
0x86: {  	_ =	shalt  }
0x87: {  	_ =	shalt  }
.Lfunc_end0:
.L_simem_size_0:
called_computation.2_lowered:
.L_overlay_start_0:
0x88: {  	s2 =	sld [smem:$0x3FD9]  }
0x89: {  	s3 =	sld [smem:$0x3FFE];
	_ =	sdelay $0x1  }
0x8a: {  	s1 =	srdreg.scid  }
0x8b: {  	s0 =	sand.u32 $0x1, s1  }
0x8c: {  	s17 =	sshll.u32 s0, $0xA;
	s2 =	sadd.s32 s3, s2  }
0x8d: {  	s2 =	sadd.s32 s2, s17  }
0x8e: {  	[smem:$0x3FC2] =	sst s2  }
0x8f: {  	_ = 	snop  }
0x90: {  	s2 =	sld [smem:$0x3FD0];
	(tm) =	ssettm $0x1  }
0x91: {  	s18 =	sld [smem:$0x3FFB];
	_ =	sdelay $0x3  }
0x92: {  	_ =	strace s18  }
0x93: {  	s3 =	sld [smem:$0x3FFC];
	_ =	sdelay $0x3  }
0x94: {  	_ =	strace s3  }
0x95: {  	s3 =	sld [smem:$0x3FFD];
	_ =	sdelay $0x3  }
0x96: {  	_ =	strace s3  }
0x97: {  	_ =	strace $0x8FFFFFFF  }
0x98: {  	s19 =	sld [smem:$0x3FDB];
	_ =	sdelay $0x1  }
0x99: {  	s4 =	simm.s32 $_scs_section_size  }
0x9a: {  	s5 =	simm.s32 $_size__tile_overlayer_lowered;
	s6 =	simm.s32 $_tile_overlayer_lowered  }
0x9b: {  	s22 =	simm.s32 $0x1BFF;
	s21 =	sshll.u32 s6, $0x1;
	s3 =	sadd.s32 s4, s19  }
0x9c: {  	s7 =	simm.s32 $0x0;
	s20 =	sshll.u32 s5, $0x1;
	s5 =	sadd.s32 s21, s3  }
0x9d: {  	[timem:s7], [sflag:s22] =	dma.local [hbm:s5], s20  }
0x9e: {  	_ =	swait.ge [sflag:s22], s20  }
0x9f: {  	s4 =	ssub.s32 $0x0, s20;
	[sflag:s22] =	ssyncset.done $0x0  }
0xa0: {  	[sflag:s22] =	ssyncadd.s32 s4;
	_ =	sdelay $0x1  }
0xa1: {  	s23 =	simm.s32 $0x1B8B  }
0xa2: {  	_ =	swait.ge [sflag:s23], $0x1  }
0xa3: {  	[sflag:s23] =	ssyncset.done $0x0  }
0xa4: {  	s25 =	simm.s32 $0x1B8E;
	s24 =	sld [smem:$0x3FFE];
	[sflag:s23] =	ssyncadd.s32 $0xFFFFFFFF  }
0xa5: {  	s26 =	simm.s32 $execute0_lowered;
	[smem:$0x3FD2] =	sst s25  }
0xa6: {  	s5 =	sshll.u32 s26, $0x1;
	_ =	strace $0x8000004C;
	[dreg:$0x1] =	wrdreg $0xFFFFFFFF  }
0xa7: {  	s28 =	simm.s32 $_size_execute0_lowered;
	s3 =	sadd.s32 s3, s5;
	[dreg:$0x0] =	wrdreg $0x0  }
0xa8: {  	s5 =	sshll.u32 s28, $0x1;
	[dreg:$0x2] =	wrdreg s3  }
0xa9: {  	[dreg:$0x3] =	wrdreg s5  }
0xaa: {  	[dreg:$0x4] =	wrdreg $0xC0  }
0xab: {  	_ =	task [dreg:s7], $0x5FFFF  }
0xac: {  	[dreg:$0x1] =	wrdreg $0xFFFFFFFF  }
0xad: {  	[dreg:$0x0] =	wrdreg $0x60  }
0xae: {  	[dreg:$0x2] =	wrdreg s24  }
0xaf: {  	[dreg:$0x3] =	wrdreg s2  }
0xb0: {  	[dreg:$0x4] =	wrdreg $0x0  }
0xb1: {  	[dreg:$0x5] =	wrdreg $0x9  }
0xb2: {  	_ =	task.clear_ibuf [dreg:s7], $0x6FFFF;
	_ =	strace $0x9000004C  }
0xb3: {  	s29 =	simm.s32 $0x9;
	_ =	strace $0x8000004E  }
0xb4: {  	_ =	swait.ge [sflag:s29], $0x1  }
0xb5: {  	[sflag:s29] =	ssyncadd.s32 $0xFFFFFFFF  }
0xb6: {  	_ =	strace $0x9000004E  }
0xb7: {  	_ =	sfence  }
0xb8: {  	s30 =	sld [smem:$0x0];
	_ =	sdelay $0x2  }
0xb9: {  	s31 =	sshll.u32 s1, $0xD;
	s1 =	sshrl.u32 s1, $0x2  }
0xba: {  	s3 =	sand.u32 $0x4000, s31;
	s1 =	sadd.s32 s1, s30  }
0xbb: {  	s0 =	sor.u32 s3, s0;
	s1 =	sshll.u32 s1, $0x11  }
0xbc: {  	s0 =	sor.u32 s1, s0  }
0xbd: {  	s0 =	sadd.s32 $0x8F2B, s0  }
0xbe: {  	[sflag:s0] =	ssyncadd.remote.s32 $0x1  }
0xbf: {  	_ =	sfence.sel $0xFFFF  }
0xc0: {  	[dreg:$0x0] =	wrdreg $0xFFFFFFFF;
	(pc) =	sbr.abs _section_cstart, $3  }
0xc1: {  	[dreg:$0x1] =	wrdreg $0xFFFFFFFF  }
0xc2: {  	_ =	task.clear_ibuf [dreg:s7], $0x2FFFF;
	_ =	strace $0x9FFFFFFF  }
0xc3: {  	(tm) =	ssettm $0x7FFFFFFF  }
tec
execute0_lowered:
.L_overlay_start_1:
0x0: {  	(tag) =	ssettag $0x1  }
0x1: {  	s6 =	rddreg [dreg:$0x0]  }
0x2: {  	s0 =	srdreg.scid;
	s1 =	rddreg [dreg:$0x1]  }
0x3: {  	s12 =	stileid.u32;
	s2 =	rddreg [dreg:$0x2]  }
0x4: {  	s16 =	simm.s32 $0x7;
	s17 =	simm.s32 $0x1;
	s18 =	simm.s32 $0x2  }
0x5: {  	s19 =	simm.s32 $0x50;
	s20 =	simm.s32 $0x18780;
	s22 =	simm.s32 $0x1AF80  }
0x6: {  	s28 =	simm.s32 $0x3;
	s29 =	simm.s32 $0x5;
	s30 =	simm.s32 $0x6  }
0x7: {  	s31 =	simm.s32 $0x0;
	s0 =	sand.u32 $0x1, s0;
	s7 =	smul.u32 $0x13800, s12  }
0x8: {  	s10 =	smul.u32 $0x4E000, s12;
	s11 =	sadd.s32 $0x3CE00, s6;
	s25 =	sshll.u32 s12, $0x6  }
0x9: {  	s15 =	sadd.s32 $0x138000, s2;
	p0 =	sne.s32 s12, $0x0;
	s3 =	sshll.u32 s0, $0x4  }
0xa: {  	s23 =	ssub.s32 $0x2, s0;
	s0 =	smul.u32 $0x138800, s0;
	s4 =	sor.u32 s12, s3  }
0xb: {  	s3 =	simm.s32 $0x0;
	s5 =	sshrl.u32 s7, $0x3;
	s9 =	sshrl.u32 s23, $0x1  }
0xc: {  	s24 =	sshrl.u32 s10, $0x2;
	s4 =	smul.u32 $0x4E2, s4;
	[smem:$0x7FF] =	sst s3  }
0xd: {  	s5 =	sadd.s32 s5, s6;
	s13 =	ssub.s32 s23, s9;
	s14 =	sadd.s32 s24, s2  }
0xe: {  	s26 =	sadd.s32 s7, s0;
	s0 =	sshrl.u32 s0, $0x3;
	s24 =	simm.s32 $0x1D780  }
0xf: {  	_ =	strace $0x8000004D;
	s9 =	sshrl.u32 s26, $0x3;
	s0 =	sadd.s32 s11, s0  }
0x10: {  	s12 =	sshrl.u32 s14, $0x3;
	s14 =	simm.s32 $0x13880;
	s26 =	simm.s32 $0x4  }
0x11: {  	s8 =	sadd.s32 s4, s6;
	s4 =	sadd.s32 $0x15C00, s5;
	s5 =	sor.u32 $0x1C07, s25  }
0x12: {  	s6 =	sadd.s32 $0x3CC00, s6;
	s9 =	sadd.s32 s11, s9;
	s10 =	sadd.s32 $0x27000, s0  }
0x13: {  	s11 =	smax.u32 s13, $0x1;
	s13 =	sshrl.u32 @!p0 s15, $0x3;
	s15 =	simm.s32 $0x16000  }
0x14: {  	s25 =	simm.s32 $0x186C0;
	s7 =	sadd.s32 $0xBE00, s8;
	s8 =	sadd.s32 $0x2000, s8  }
.LBB2_1:
0x15: {  	[spmem:s12], [sflag:s5] =	dma.local [hbm:s4], $0x2700  }
0x16: {  	[spmem:s13], [sflag:s5] =	dma.local @!p0 [hbm:s6], $0x100  }
0x17: {  	[tilespmem:s14], [sflag:$0x1] =	stream.linear.gather [hbm4b:s7+s3], $0x2710, $0x38;
	[tilespmem:$0x1FF80] =	vst v63  }
0x18: {  	_ = 	snop  }
0x19: {  	[tilespmem:s15], [sflag:$0x2] =	stream.linear.gather [hbm4b:s8+s3], $0x2710, $0x38;
	[tilespmem:$0x1FF80] =	vst v63  }
0x1a: {  	_ =	swait.ge [sflag:s16], $0x2700  }
0x1b: {  	[sflag:s16] =	ssyncset.done $0x0  }
0x1c: {  	s0 =	simm.s32 @!p0 $0x7;
	[sflag:s16] =	ssyncadd.s32 $0xFFFFD900  }
0x1d: {  	_ =	swait.ge @!p0 [sflag:s0], $0x100  }
0x1e: {  	[sflag:s0] =	ssyncset.done @!p0 $0x0  }
0x1f: {  	[sflag:s0] =	ssyncadd.s32 @!p0 $0xFFFFFF00  }
0x20: {  	_ =	swait.ge [sflag:s17], $0x2710  }
0x21: {  	[sflag:s17] =	ssyncset.done $0x0  }
0x22: {  	[sflag:s17] =	ssyncadd.s32 $0xFFFFD8F0  }
0x23: {  	_ =	swait.ge [sflag:s18], $0x2710  }
0x24: {  	[sflag:s18] =	ssyncset.done $0x0  }
0x25: {  	[sflag:s18] =	ssyncadd.s32 $0xFFFFD8F0  }
0x26: {  	[bflag:$0x0] =	sbarrier.arrive $0xFFFF  }
0x27: {  	[tilespmem:s20], [sflag:$0x1] =	stream.indirect.gather [hbm4b:s1+s19], $0x80, s14, s19, $0xb8;
	[tilespmem:$0x1FF80] =	vst v63  }
0x28: {  	s21 =	simm.s32 $0x138D0  }
0x29: {  	[tilespmem:s22], [sflag:$0x2] =	stream.indirect.gather [hbm4b:s1+s19], $0x80, s21, s19, $0xb8;
	[tilespmem:$0x1FF80] =	vst v63  }
0x2a: {  	_ =	swait.ge [sflag:s17], $0x2800  }
0x2b: {  	[sflag:s17] =	ssyncset.done $0x0  }
0x2c: {  	[sflag:s17] =	ssyncadd.s32 $0xFFFFD800  }
0x2d: {  	[spmem:s2] =	stream.indirect.scatter.add.f32 [tilespmem:s20], [sflag:$0x4], $0x80, s15, s19, $0xb8;
	[tilespmem:$0x1FF80] =	vst v63  }
0x2e: {  	s23 =	simm.s32 $0x13920  }
0x2f: {  	[tilespmem:s24], [sflag:$0x3] =	stream.indirect.gather [hbm4b:s1+s19], $0x80, s23, s19, $0xb8;
	[tilespmem:$0x1FF80] =	vst v63  }
0x30: {  	_ =	swait.ge [sflag:s18], $0x2800  }
0x31: {  	[sflag:s18] =	ssyncset.done $0x0  }
0x32: {  	s21 =	simm.s32 $0x16050;
	[sflag:s18] =	ssyncadd.s32 $0xFFFFD800  }
0x33: {  	[spmem:s2] =	stream.indirect.scatter.add.f32 [tilespmem:s22], [sflag:$0x5], $0x80, s21, s19, $0xb8;
	[tilespmem:$0x1FF80] =	vst v63  }
0x34: {  	_ =	swait.ge [sflag:s26], $0x2800  }
0x35: {  	[sflag:s26] =	ssyncset.done $0x0  }
0x36: {  	s23 =	simm.s32 $0x13970;
	[sflag:s26] =	ssyncadd.s32 $0xFFFFD800  }
0x37: {  	[tilespmem:s20], [sflag:$0x1] =	stream.indirect.gather [hbm4b:s1+s19], $0x80, s23, s19, $0xb8;
	[tilespmem:$0x1FF80] =	vst v63  }
0x38: {  	_ =	swait.ge [sflag:s28], $0x2800  }
0x39: {  	[sflag:s28] =	ssyncset.done $0x0  }
0x3a: {  	s21 =	simm.s32 $0x160A0;
	[sflag:s28] =	ssyncadd.s32 $0xFFFFD800  }
0x3b: {  	[spmem:s2] =	stream.indirect.scatter.add.f32 [tilespmem:s24], [sflag:$0x6], $0x80, s21, s19, $0xb8;
	[tilespmem:$0x1FF80] =	vst v63  }
0x3c: {  	_ =	swait.ge [sflag:s29], $0x2800  }
0x3d: {  	[sflag:s29] =	ssyncset.done $0x0  }
0x3e: {  	s23 =	simm.s32 $0x139C0;
	[sflag:s29] =	ssyncadd.s32 $0xFFFFD800  }
0x3f: {  	[tilespmem:s22], [sflag:$0x2] =	stream.indirect.gather [hbm4b:s1+s19], $0x80, s23, s19, $0xb8;
	[tilespmem:$0x1FF80] =	vst v63  }
0x40: {  	_ =	swait.ge [sflag:s17], $0x2800  }
0x41: {  	[sflag:s17] =	ssyncset.done $0x0  }
0x42: {  	s21 =	simm.s32 $0x160F0;
	[sflag:s17] =	ssyncadd.s32 $0xFFFFD800  }
0x43: {  	[spmem:s2] =	stream.indirect.scatter.add.f32 [tilespmem:s20], [sflag:$0x4], $0x80, s21, s19, $0xb8;
	[tilespmem:$0x1FF80] =	vst v63  }
0x44: {  	_ =	swait.ge [sflag:s30], $0x2800  }
0x45: {  	[sflag:s30] =	ssyncset.done $0x0  }
0x46: {  	s23 =	simm.s32 $0x13A10;
	[sflag:s30] =	ssyncadd.s32 $0xFFFFD800  }
0x47: {  	[tilespmem:s24], [sflag:$0x3] =	stream.indirect.gather [hbm4b:s1+s19], $0x80, s23, s19, $0xb8;
	[tilespmem:$0x1FF80] =	vst v63  }
0x48: {  	_ =	swait.ge [sflag:s18], $0x2800  }
0x49: {  	[sflag:s18] =	ssyncset.done $0x0  }
0x4a: {  	s0 =	simm.s32 $0x3C0;
	s21 =	simm.s32 $0x16140;
	[sflag:s18] =	ssyncadd.s32 $0xFFFFD800  }
.LBB2_2:
0x4b: {  	[spmem:s2] =	stream.indirect.scatter.add.f32 [tilespmem:s22], [sflag:$0x5], $0x80, s21, s19, $0xb8;
	[tilespmem:$0x1FF80] =	vst v63  }
0x4c: {  	s21 =	smov.u32 s0  }
0x4d: {  	p1 =	sne.s32 s0, $0x9240;
	s0 =	sadd.s32 $0x3C0, s0;
	_ =	swait.ge [sflag:s26], $0x2800  }
0x4e: {  	s21 =	sshra.s32 s21, $0x2;
	[sflag:s26] =	ssyncset.done $0x0  }
0x4f: {  	s23 =	sadd.s32 $0x13970, s21;
	[sflag:s26] =	ssyncadd.s32 $0xFFFFD800  }
0x50: {  	[tilespmem:s20], [sflag:$0x1] =	stream.indirect.gather [hbm4b:s1+s19], $0x80, s23, s19, $0xb8;
	[tilespmem:$0x1FF80] =	vst v63  }
0x51: {  	_ =	swait.ge [sflag:s28], $0x2800  }
0x52: {  	[sflag:s28] =	ssyncset.done $0x0  }
0x53: {  	s23 =	sadd.s32 $0x160A0, s21;
	[sflag:s28] =	ssyncadd.s32 $0xFFFFD800  }
0x54: {  	[spmem:s2] =	stream.indirect.scatter.add.f32 [tilespmem:s24], [sflag:$0x6], $0x80, s23, s19, $0xb8;
	[tilespmem:$0x1FF80] =	vst v63  }
0x55: {  	_ =	swait.ge [sflag:s29], $0x2800  }
0x56: {  	[sflag:s29] =	ssyncset.done $0x0  }
0x57: {  	s23 =	sadd.s32 $0x139C0, s21;
	[sflag:s29] =	ssyncadd.s32 $0xFFFFD800  }
0x58: {  	[tilespmem:s22], [sflag:$0x2] =	stream.indirect.gather [hbm4b:s1+s19], $0x80, s23, s19, $0xb8;
	[tilespmem:$0x1FF80] =	vst v63  }
0x59: {  	_ =	swait.ge [sflag:s17], $0x2800  }
0x5a: {  	[sflag:s17] =	ssyncset.done $0x0  }
0x5b: {  	s23 =	sadd.s32 $0x160F0, s21;
	[sflag:s17] =	ssyncadd.s32 $0xFFFFD800  }
0x5c: {  	[spmem:s2] =	stream.indirect.scatter.add.f32 [tilespmem:s20], [sflag:$0x4], $0x80, s23, s19, $0xb8;
	[tilespmem:$0x1FF80] =	vst v63  }
0x5d: {  	_ =	swait.ge [sflag:s30], $0x2800  }
0x5e: {  	[sflag:s30] =	ssyncset.done $0x0  }
.Ltmp0:
0x5f: {  	s23 =	sadd.s32 $0x13A10, s21;
	[sflag:s30] =	ssyncadd.s32 $0xFFFFD800;
	(pc) =	sbr.rel @p1 .LBB2_2-.Ltmp0, $4  }
0x60: {  	[tilespmem:s24], [sflag:$0x3] =	stream.indirect.gather [hbm4b:s1+s19], $0x80, s23, s19, $0xb8;
	[tilespmem:$0x1FF80] =	vst v63  }
0x61: {  	_ =	swait.ge [sflag:s18], $0x2800  }
0x62: {  	[sflag:s18] =	ssyncset.done $0x0  }
0x63: {  	s21 =	sadd.s32 $0x16140, s21;
	[sflag:s18] =	ssyncadd.s32 $0xFFFFD800  }
0x64: {  	[spmem:s2] =	stream.indirect.scatter.add.f32 [tilespmem:s22], [sflag:$0x5], $0x80, s21, s19, $0xb8;
	[tilespmem:$0x1FF80] =	vst v63  }
0x65: {  	_ =	swait.ge [sflag:s26], $0x2800  }
0x66: {  	[sflag:s26] =	ssyncset.done $0x0  }
0x67: {  	s0 =	simm.s32 $0x15EF0;
	[sflag:s26] =	ssyncadd.s32 $0xFFFFD800  }
0x68: {  	[tilespmem:s20], [sflag:$0x1] =	stream.indirect.gather [hbm4b:s1+s19], $0x80, s0, s19, $0xb8;
	[tilespmem:$0x1FF80] =	vst v63  }
0x69: {  	_ =	swait.ge [sflag:s28], $0x2800  }
0x6a: {  	[sflag:s28] =	ssyncset.done $0x0  }
0x6b: {  	s23 =	simm.s32 $0x18620;
	[sflag:s28] =	ssyncadd.s32 $0xFFFFD800  }
0x6c: {  	[spmem:s2] =	stream.indirect.scatter.add.f32 [tilespmem:s24], [sflag:$0x6], $0x80, s23, s19, $0xb8;
	[tilespmem:$0x1FF80] =	vst v63  }
0x6d: {  	_ =	swait.ge [sflag:s29], $0x2800  }
0x6e: {  	[sflag:s29] =	ssyncset.done $0x0  }
0x6f: {  	s21 =	simm.s32 $0x15F40;
	[sflag:s29] =	ssyncadd.s32 $0xFFFFD800  }
0x70: {  	[tilespmem:s22], [sflag:$0x2] =	stream.indirect.gather [hbm4b:s1+s19], $0x80, s21, s19, $0xb8;
	[tilespmem:$0x1FF80] =	vst v63  }
0x71: {  	_ =	swait.ge [sflag:s17], $0x2800  }
0x72: {  	[sflag:s17] =	ssyncset.done $0x0  }
0x73: {  	s23 =	simm.s32 $0x18670;
	[sflag:s17] =	ssyncadd.s32 $0xFFFFD800  }
0x74: {  	[spmem:s2] =	stream.indirect.scatter.add.f32 [tilespmem:s20], [sflag:$0x4], $0x80, s23, s19, $0xb8;
	[tilespmem:$0x1FF80] =	vst v63  }
0x75: {  	_ =	swait.ge [sflag:s30], $0x2800  }
0x76: {  	[sflag:s30] =	ssyncset.done $0x0  }
0x77: {  	[sflag:s30] =	ssyncadd.s32 $0xFFFFD800  }
0x78: {  	_ =	swait.ge [sflag:s18], $0x2800  }
0x79: {  	[sflag:s18] =	ssyncset.done $0x0  }
0x7a: {  	[sflag:s18] =	ssyncadd.s32 $0xFFFFD800  }
0x7b: {  	[spmem:s2] =	stream.indirect.scatter.add.f32 [tilespmem:s22], [sflag:$0x5], $0x80, s25, s19, $0xb8;
	[tilespmem:$0x1FF80] =	vst v63  }
0x7c: {  	_ =	swait.ge [sflag:s26], $0x2800  }
0x7d: {  	[sflag:s26] =	ssyncset.done $0x0  }
0x7e: {  	[sflag:s26] =	ssyncadd.s32 $0xFFFFD800  }
0x7f: {  	_ =	swait.ge [sflag:s29], $0x2800  }
0x80: {  	[sflag:s29] =	ssyncset.done $0x0  }
0x81: {  	[sflag:s29] =	ssyncadd.s32 $0xFFFFD800  }
0x82: {  	s0 =	simm.s32 @p0 $0x7;
	[bflag:$0x0] =	sbarrier.arrive $0xFFFF  }
0x83: {  	[hbm:s9], [sflag:s5] =	dma.local [spmem:s12], $0x2700  }
0x84: {  	_ =	swait.ge @p0 [sflag:s0], $0x2700  }
0x85: {  	[sflag:s0] =	ssyncset.done @p0 $0x0  }
0x86: {  	s31 =	sadd.s32 $0x1, s31;
	[sflag:s0] =	ssyncadd.s32 @p0 $0xFFFFD900;
	s0 =	simm.s32 @!p0 $0x7  }
0x87: {  	[hbm:s10], [sflag:s5] =	dma.local @!p0 [spmem:s13], $0x100  }
0x88: {  	p1 =	sne.s32 s31, s11;
	_ =	swait.ge @!p0 [sflag:s0], $0x2700  }
.Ltmp1:
0x89: {  	[sflag:s0] =	ssyncset.done @!p0 $0x0;
	(pc) =	sbr.rel @p1 .LBB2_1-.Ltmp1, $4  }
0x8a: {  	[sflag:s0] =	ssyncadd.s32 @!p0 $0xFFFFD900  }
0x8b: {  	_ =	swait.ge @!p0 [sflag:s0], $0x100  }
0x8c: {  	[sflag:s0] =	ssyncset.done @!p0 $0x0  }
0x8d: {  	[sflag:s0] =	ssyncadd.s32 @!p0 $0xFFFFFF00  }
0x8e: {  	_ =	sfence.sel $0x180000  }
0x8f: {  	[bflag:$0x0] =	sbarrier.arrive $0xFFFF  }
0x90: {  	_ =	strace $0x9000004D  }
0x91: {  	[bflag:$0x2] =	sbarrier.arrive $0xFFFF  }
0x92: {  	s0 =	rddreg [dreg:$0x3]  }
0x93: {  	s0 =	sadd.s32 @!p0 $0x100000, s0  }
0x94: {  	[sflag:s0] =	ssyncadd.tile.s32 @!p0 $0x1;
	_ =	shalt  }
.Lfunc_end2:
_tile_overlayer_lowered:
.L_overlay_start_2:
0x95: {  	(tag) =	ssettag $0x2  }
0x96: {  	s0 =	rddreg [dreg:$0x0];
	s2 =	stileid.u32  }
0x97: {  	s1 =	rddreg [dreg:$0x1];
	p0 =	sne.s32 s2, $0x0  }
0x98: {  	s3 =	rddreg [dreg:$0x2];
	[bflag:$0x3] =	sbarrier.arrive $0xFFFF;
	s2 =	simm.s32 @!p0 $0x1C08  }
0x99: {  	[timem:s3], [sflag:s2] =	dma.local @!p0 [hbm:s0], s1  }
0x9a: {  	s0 =	simm.s32 @!p0 $0x8  }
0x9b: {  	_ =	swait.ge @!p0 [sflag:s0], s1  }
0x9c: {  	s1 =	ssub.s32 @!p0 $0x0, s1;
	[sflag:s0] =	ssyncset.done @!p0 $0x0  }
0x9d: {  	[sflag:s0] =	ssyncadd.s32 @!p0 s1  }
0x9e: {  	[bflag:$0x3] =	sbarrier.arrive $0xFFFF  }
0x9f: {  	_ =	shalt  }

// kernel: kernel.8.cloned.1.call-start
scs
__scs_entry_jumppad:
0x0: {  	(pc) =	sbr.rel $0x88, $3  }
0x1: {  	(tag) =	ssettag $0x0;
	lr =	simm.s32 $0x1  }
0x2: {  	[smem:$0x3F9B] =	sst lr;
	_ =	strace $0xD0000000  }
0x3: {  	_ = 	snop  }
0x4: {  	_ = 	snop  }
0x5: {  	_ = 	snop  }
0x6: {  	_ = 	snop  }
0x7: {  	_ = 	snop  }
__scs_overlays_trampoline_lowered:
0x8: {  	[smem:$0x3FAA] =	sst s0  }
0x9: {  	[smem:$0x3FAB] =	sst s1  }
0xa: {  	[smem:$0x3FAC] =	sst s2  }
0xb: {  	[smem:$0x3FAD] =	sst s3  }
0xc: {  	[smem:$0x3FAE] =	sst s4  }
0xd: {  	[smem:$0x3FAF] =	sst s5  }
0xe: {  	[smem:$0x3FB0] =	sst s6  }
0xf: {  	[smem:$0x3FB1] =	sst s7  }
0x10: {  	[smem:$0x3FB2] =	sst s8  }
0x11: {  	[smem:$0x3FB3] =	sst s9;
	s0 =	simm.s32 @!p0 $0x0  }
0x12: {  	s1 =	sld [smem:$0x3F99];
	s0 =	simm.s32 @p0 $0x1  }
0x13: {  	[smem:$0x3FB4] =	sst s0;
	s0 =	simm.s32 @!p1 $0x0  }
0x14: {  	s2 =	sld [smem:$0x3F98];
	s0 =	simm.s32 @p1 $0x1  }
0x15: {  	[smem:$0x3FB5] =	sst s0;
	s0 =	simm.s32 @!p2 $0x0  }
0x16: {  	s3 =	sld [smem:$0x3FDB];
	s0 =	simm.s32 @p2 $0x1  }
0x17: {  	s4 =	simm.s32 $0x1BF5;
	[smem:$0x3FB7] =	sst s0  }
0x18: {  	s0 =	sld [smem:$0x3F9A];
	_ =	swait.ge [sflag:s4], $0x0  }
0x19: {  	s7 =	sld [smem:$0x3F9B]  }
0x1a: {  	s8 =	sadd.s32 $0xFFFFE003, lr  }
0x1b: {  	s9 =	sadd.s32 $0xFFFFFEF7, lr;
	s5 =	simm.s32 $0xFFFFFFFF;
	p2 =	slt.u32 s8, $0xFFFFF086  }
0x1c: {  	p1 =	slt.u32 s9, $0xF7A;
	s5 =	simm.s32 @!p2 $0x0  }
0x1d: {  	s5 =	simm.s32 @p1 $0x1;
	p0 =	seq.s32 s7, s2  }
0x1e: {  	s7 =	smul.u32 @!p0 $0xF7A, s2;
	p2 =	seq.s32 @!p0 s5, $0x0  }
0x1f: {  	s9 =	smul.u32 $0xF7A, s1;
	s8 =	simm.s32 @!p0 $0x1BF5;
	p2 =	por !p2, p0  }
0x20: {  	[sflag:s8] =	ssyncset.s32 @!p0 $0xFFFFF086;
	s6 =	sadd.s32 @!p0 s3, s7;
	s7 =	simm.s32 @!p0 $0x108  }
0x21: {  	s3 =	sadd.s32 s3, s9;
	s6 =	sadd.s32 @!p0 $0x88, s6;
	s7 =	simm.s32 @p2 $0x1082  }
0x22: {  	[simem:s7], [sflag:s8] =	dma.local @!p0 [hbm:s6], $0xF7A  }
0x23: {  	s9 =	sor.u32 $0xD0000000, s2;
	s6 =	simm.s32 $0x108;
	_ =	swait.ge @!p0 [sflag:s8], $0x0  }
0x24: {  	s3 =	sadd.s32 $0x88, s3;
	s6 =	simm.s32 @!p1 $0x1082;
	[sflag:s4] =	ssyncset.s32 $0xFFFFF086  }
0x25: {  	[simem:s6], [sflag:s4] =	dma.local [hbm:s3], $0xF7A  }
0x26: {  	[smem:$0x3F9B] =	sst s1;
	(tag) =	ssettag s2;
	_ =	strace s9  }
0x27: {  	s1 =	sld [smem:$0x3FAB]  }
0x28: {  	s2 =	sld [smem:$0x3FAC]  }
0x29: {  	s4 =	sld [smem:$0x3FAE]  }
0x2a: {  	p0 =	seq.s32 s5, $0x0;
	s5 =	sld [smem:$0x3FAF]  }
0x2b: {  	s6 =	sld [smem:$0x3FB0]  }
0x2c: {  	s7 =	sld [smem:$0x3FB1]  }
0x2d: {  	s3 =	simm.s32 $0x108;
	s8 =	sld [smem:$0x3FB2]  }
0x2e: {  	s3 =	simm.s32 @!p0 $0x1082;
	s9 =	sld [smem:$0x3FB3]  }
0x2f: {  	lr =	sadd.s32 s0, s3;
	s0 =	sld [smem:$0x3FAA]  }
0x30: {  	s3 =	sld [smem:$0x3FAD]  }
0x31: {  	[smem:$0x3FB6] =	sst s10  }
0x32: {  	s10 =	sld [smem:$0x3FB4];
	_ =	sdelay $0x3  }
0x33: {  	p0 =	seq.s32 s10, $0x1;
	s10 =	sld [smem:$0x3FB6];
	_ =	sdelay $0x3  }
0x34: {  	[smem:$0x3FB6] =	sst s10  }
0x35: {  	s10 =	sld [smem:$0x3FB5];
	_ =	sdelay $0x3  }
0x36: {  	p1 =	seq.s32 s10, $0x1;
	s10 =	sld [smem:$0x3FB6];
	_ =	sdelay $0x3  }
0x37: {  	[smem:$0x3FB6] =	sst s10  }
0x38: {  	s10 =	sld [smem:$0x3FB7]  }
0x39: {  	_ = 	snop;
	(pc) =	sbr.ind lr, $3  }
0x3a: {  	_ = 	snop  }
0x3b: {  	_ = 	snop  }
0x3c: {  	p2 =	seq.s32 s10, $0x1;
	s10 =	sld [smem:$0x3FB6]  }
0x3d: {  	_ =	shalt  }
0x3e: {  	_ =	shalt  }
0x3f: {  	_ =	shalt  }
0x40: {  	_ =	shalt  }
0x41: {  	_ =	shalt  }
0x42: {  	_ =	shalt  }
0x43: {  	_ =	shalt  }
0x44: {  	_ =	shalt  }
0x45: {  	_ =	shalt  }
0x46: {  	_ =	shalt  }
0x47: {  	_ =	shalt  }
0x48: {  	_ =	shalt  }
0x49: {  	_ =	shalt  }
0x4a: {  	_ =	shalt  }
0x4b: {  	_ =	shalt  }
0x4c: {  	_ =	shalt  }
0x4d: {  	_ =	shalt  }
0x4e: {  	_ =	shalt  }
0x4f: {  	_ =	shalt  }
0x50: {  	_ =	shalt  }
0x51: {  	_ =	shalt  }
0x52: {  	_ =	shalt  }
0x53: {  	_ =	shalt  }
0x54: {  	_ =	shalt  }
0x55: {  	_ =	shalt  }
0x56: {  	_ =	shalt  }
0x57: {  	_ =	shalt  }
0x58: {  	_ =	shalt  }
0x59: {  	_ =	shalt  }
0x5a: {  	_ =	shalt  }
0x5b: {  	_ =	shalt  }
0x5c: {  	_ =	shalt  }
0x5d: {  	_ =	shalt  }
0x5e: {  	_ =	shalt  }
0x5f: {  	_ =	shalt  }
0x60: {  	_ =	shalt  }
0x61: {  	_ =	shalt  }
0x62: {  	_ =	shalt  }
0x63: {  	_ =	shalt  }
0x64: {  	_ =	shalt  }
0x65: {  	_ =	shalt  }
0x66: {  	_ =	shalt  }
0x67: {  	_ =	shalt  }
0x68: {  	_ =	shalt  }
0x69: {  	_ =	shalt  }
0x6a: {  	_ =	shalt  }
0x6b: {  	_ =	shalt  }
0x6c: {  	_ =	shalt  }
0x6d: {  	_ =	shalt  }
0x6e: {  	_ =	shalt  }
0x6f: {  	_ =	shalt  }
0x70: {  	_ =	shalt  }
0x71: {  	_ =	shalt  }
0x72: {  	_ =	shalt  }
0x73: {  	_ =	shalt  }
0x74: {  	_ =	shalt  }
0x75: {  	_ =	shalt  }
0x76: {  	_ =	shalt  }
0x77: {  	_ =	shalt  }
0x78: {  	_ =	shalt  }
0x79: {  	_ =	shalt  }
0x7a: {  	_ =	shalt  }
0x7b: {  	_ =	shalt  }
0x7c: {  	_ =	shalt  }
0x7d: {  	_ =	shalt  }
0x7e: {  	_ =	shalt  }
0x7f: {  	_ =	shalt  }
0x80: {  	_ =	shalt  }
0x81: {  	_ =	shalt  }
0x82: {  	_ =	shalt  }
0x83: {  	_ =	shalt  }
0x84: {  	_ =	shalt  }
0x85: {  	_ =	shalt  }
0x86: {  	_ =	shalt  }
0x87: {  	_ =	shalt  }
.Lfunc_end0:
.L_simem_size_0:
called_computation_lowered:
.L_overlay_start_0:
0x88: {  	s2 =	sld [smem:$0x3FD9]  }
0x89: {  	s3 =	sld [smem:$0x3FFE];
	_ =	sdelay $0x1  }
0x8a: {  	s1 =	srdreg.scid  }
0x8b: {  	s0 =	sand.u32 $0x1, s1  }
0x8c: {  	s16 =	sshll.u32 s0, $0xA;
	s2 =	sadd.s32 s3, s2  }
0x8d: {  	s2 =	sadd.s32 s2, s16  }
0x8e: {  	[smem:$0x3FC2] =	sst s2  }
0x8f: {  	_ = 	snop  }
0x90: {  	(tm) =	ssettm $0x1  }
0x91: {  	s17 =	sld [smem:$0x3FFB];
	_ =	sdelay $0x3  }
0x92: {  	_ =	strace s17  }
0x93: {  	s2 =	sld [smem:$0x3FFC];
	_ =	sdelay $0x3  }
0x94: {  	_ =	strace s2  }
0x95: {  	s2 =	sld [smem:$0x3FFD];
	_ =	sdelay $0x3  }
0x96: {  	_ =	strace s2  }
0x97: {  	_ =	strace $0x8FFFFFFF  }
0x98: {  	s18 =	sld [smem:$0x3FDB];
	_ =	sdelay $0x1  }
0x99: {  	s19 =	simm.s32 $_scs_section_size  }
0x9a: {  	s4 =	simm.s32 $_size__tile_overlayer_lowered;
	s5 =	simm.s32 $_tile_overlayer_lowered  }
0x9b: {  	s22 =	simm.s32 $0x1BFF;
	s21 =	sshll.u32 s5, $0x1;
	s2 =	sadd.s32 s19, s18  }
0x9c: {  	s6 =	simm.s32 $0x0;
	s20 =	sshll.u32 s4, $0x1;
	s4 =	sadd.s32 s21, s2  }
0x9d: {  	[timem:s6], [sflag:s22] =	dma.local [hbm:s4], s20  }
0x9e: {  	_ =	swait.ge [sflag:s22], s20  }
0x9f: {  	s3 =	ssub.s32 $0x0, s20;
	[sflag:s22] =	ssyncset.done $0x0  }
0xa0: {  	[sflag:s22] =	ssyncadd.s32 s3;
	_ =	sdelay $0x1  }
0xa1: {  	s23 =	simm.s32 $0x1B8B  }
0xa2: {  	_ =	swait.ge [sflag:s23], $0x1  }
0xa3: {  	[sflag:s23] =	ssyncset.done $0x0  }
0xa4: {  	s25 =	simm.s32 $0x1B8E;
	s24 =	sld [smem:$0x3FFE];
	[sflag:s23] =	ssyncadd.s32 $0xFFFFFFFF  }
0xa5: {  	s26 =	simm.s32 $execute0_lowered;
	[smem:$0x3FD2] =	sst s25  }
0xa6: {  	s4 =	sshll.u32 s26, $0x1;
	_ =	strace $0x80000046;
	[dreg:$0x1] =	wrdreg $0xFFFFFFFF  }
0xa7: {  	s28 =	simm.s32 $_size_execute0_lowered;
	s2 =	sadd.s32 s2, s4;
	[dreg:$0x0] =	wrdreg $0x0  }
0xa8: {  	s4 =	sshll.u32 s28, $0x1;
	[dreg:$0x2] =	wrdreg s2  }
0xa9: {  	[dreg:$0x3] =	wrdreg s4  }
0xaa: {  	[dreg:$0x4] =	wrdreg $0xC0  }
0xab: {  	_ =	task [dreg:s6], $0x5FFFF  }
0xac: {  	[dreg:$0x1] =	wrdreg $0xFFFFFFFF  }
0xad: {  	[dreg:$0x0] =	wrdreg $0x60  }
0xae: {  	[dreg:$0x2] =	wrdreg s24  }
0xaf: {  	[dreg:$0x3] =	wrdreg $0x0  }
0xb0: {  	[dreg:$0x4] =	wrdreg $0x9  }
0xb1: {  	_ =	task.clear_ibuf [dreg:s6], $0x5FFFF;
	_ =	strace $0x90000046  }
0xb2: {  	s29 =	simm.s32 $0x9;
	_ =	strace $0x80000048  }
0xb3: {  	_ =	swait.ge [sflag:s29], $0x1  }
0xb4: {  	[sflag:s29] =	ssyncadd.s32 $0xFFFFFFFF  }
0xb5: {  	_ =	strace $0x90000048  }
0xb6: {  	_ =	sfence  }
0xb7: {  	s30 =	sld [smem:$0x0];
	_ =	sdelay $0x2  }
0xb8: {  	s31 =	sshll.u32 s1, $0xD;
	s1 =	sshrl.u32 s1, $0x2  }
0xb9: {  	s3 =	sand.u32 $0x4000, s31;
	s1 =	sadd.s32 s1, s30  }
0xba: {  	s0 =	sor.u32 s3, s0;
	s1 =	sshll.u32 s1, $0x11  }
0xbb: {  	s0 =	sor.u32 s1, s0  }
0xbc: {  	s0 =	sadd.s32 $0x8F2B, s0  }
0xbd: {  	[sflag:s0] =	ssyncadd.remote.s32 $0x1  }
0xbe: {  	_ =	sfence.sel $0xFFFF  }
0xbf: {  	[dreg:$0x0] =	wrdreg $0xFFFFFFFF;
	(pc) =	sbr.abs _section_cstart, $3  }
0xc0: {  	[dreg:$0x1] =	wrdreg $0xFFFFFFFF  }
0xc1: {  	_ =	task.clear_ibuf [dreg:s6], $0x2FFFF;
	_ =	strace $0x9FFFFFFF  }
0xc2: {  	(tm) =	ssettm $0x7FFFFFFF  }
0xc3: {  	_ =	shalt  }
tec
execute0_lowered:
.L_overlay_start_1:
0x0: {  	(tag) =	ssettag $0x1  }
0x1: {  	s5 =	rddreg [dreg:$0x0]  }
0x2: {  	s0 =	srdreg.scid;
	s2 =	rddreg [dreg:$0x1]  }
0x3: {  	s3 =	simm.s32 $0x0;
	s10 =	simm.s32 $0x50;
	s4 =	sand.u32 $0x1, s0  }
0x4: {  	s11 =	simm.s32 $0x4F80;
	s0 =	stileid.u32;
	s7 =	smul.u32 $0x140000, s4  }
0x5: {  	s12 =	simm.s32 $0x1;
	s15 =	simm.s32 $0x0;
	s8 =	smul.u32 $0x14000, s0  }
0x6: {  	[smem:$0x7FF] =	sst s3;
	s1 =	sshll.u32 s4, $0x4;
	s9 =	smul.u32 $0x50000, s0  }
0x7: {  	s4 =	ssub.s32 $0x2, s4;
	s13 =	sshll.u32 s0, $0x6;
	s1 =	sor.u32 s0, s1  }
0x8: {  	s31 =	sshrl.u32 s4, $0x1;
	s13 =	sor.u32 $0x1C02, s13;
	s6 =	smul.u32 $0x4E2, s1  }
0x9: {  	s1 =	rddreg [dreg:$0x2];
	_ =	strace $0x80000047;
	s7 =	sadd.s32 s8, s7  }
0xa: {  	s9 =	sshrl.u32 s9, $0x2;
	s8 =	ssub.s32 s4, s31;
	s7 =	sshrl.u32 s7, $0x3  }
0xb: {  	s4 =	sadd.s32 s9, s2;
	s9 =	simm.s32 $0x2;
	s6 =	sadd.s32 s6, s5  }
0xc: {  	s7 =	sadd.s32 s7, s5;
	s14 =	sshrl.u32 s4, $0x3;
	s5 =	sadd.s32 $0x2000, s6  }
0xd: {  	v0 =	vimm.f32 $0.0e+00;
	v1 =	vimm.f32 $1.000000000e+00;
	s6 =	sadd.s32 $0x15C00, s7;
	s7 =	smax.u32 s8, $0x1;
	s8 =	simm.s32 $0x7780  }
.LBB2_1:
0xe: {  	s16 =	smul.u32 $0xCCCD, s3;
	_ =	sdelay $0x1  }
0xf: {  	s16 =	sshrl.u32 s16, $0x16  }
0x10: {  	s17 =	smul.u32 $0x50, s16  }
0x11: {  	s16 =	simm.s32 $0x1  }
0x12: {  	s18 =	smul.u32 $0xCCCD, s16;
	s17 =	ssub.s32 $0x0, s17  }
0x13: {  	s17 =	sand.u32 $0xFFFF, s17  }
0x14: {  	[tilespmem:s8+$0x0] =	vst v0;
	s18 =	sshrl.u32 s18, $0x16;
	s19 =	sshll.u32 s17, $0x7  }
0x15: {  	s17 =	simm.s32 $0x2;
	[tilespmem:s19+$0x4F80] =	vst v1;
	s19 =	smul.u32 $0x50, s18;
	s18 =	simm.s32 $0x7780  }
.LBB2_2:
0x16: {  	s20 =	smul.u32 $0xCCCD, s17;
	s18 =	sadd.s32 $0x80, s18;
	p0 =	sne.s32 s17, $0x27F  }
.Ltmp0:
0x17: {  	s19 =	ssub.s32 s16, s19;
	s16 =	smov.u32 s17;
	(pc) =	sbr.rel @p0 .LBB2_2-.Ltmp0, $4  }
0x18: {  	s17 =	sadd.s32 $0x1, s17;
	s19 =	sand.u32 $0xFFFF, s19  }
0x19: {  	[tilespmem:s18+$0x0] =	vst v0;
	s19 =	sshll.u32 s19, $0x7  }
0x1a: {  	s20 =	sshrl.u32 s20, $0x16;
	[tilespmem:s19+$0x4F80] =	vst v1  }
0x1b: {  	s19 =	smul.u32 $0x50, s20  }
0x1c: {  	_ = 	snop  }
0x1d: {  	s16 =	ssub.s32 s16, s19  }
0x1e: {  	s17 =	sadd.s32 $0x80, s18;
	s16 =	sand.u32 $0xFFFF, s16  }
0x1f: {  	[tilespmem:s17+$0x0] =	vst v0;
	s16 =	sshll.u32 s16, $0x7  }
0x20: {  	[tilespmem:s16+$0x4F80] =	vst v1  }
0x21: {  	[spmem:s4] =	stream.linear.scatter [tilespmem:s8], [sflag:$0x2], $0x14000, $0x38;
	[tilespmem:$0x1B780] =	vst v63  }
0x22: {  	_ =	swait.ge [sflag:s9], $0x14000  }
0x23: {  	[sflag:s9] =	ssyncset.done $0x0  }
0x24: {  	s31 =	simm.s32 $0x0;
	s16 =	simm.s32 $0x2800;
	[sflag:s9] =	ssyncadd.s32 $0xFFFEC000  }
0x25: {  	[tilespmem:s16], [sflag:$0x2] =	stream.linear.gather [hbm4b:s5+s31], $0x2710, $0x38;
	[tilespmem:$0x1B780] =	vst v63  }
0x26: {  	_ =	swait.ge [sflag:s9], $0x2710  }
0x27: {  	[sflag:s9] =	ssyncset.done $0x0  }
0x28: {  	p0 =	por $0x1, $0x1;
	[sflag:s9] =	ssyncadd.s32 $0xFFFFD8F0  }
0x29: {  	s18 =	simm.s32 @!p0 $0x1;
	[bflag:$0x0] =	sbarrier.arrive $0xFFFF  }
0x2a: {  	[spmem:s2] =	stream.indirect.scatter.add.f32 [tilespmem:s11], [sflag:$0x1], $0x10, s16, s10, $0xb8;
	[tilespmem:$0x1B780] =	vst v63  }
0x2b: {  	_ =	swait.ge @!p0 [sflag:s18], $0x500  }
0x2c: {  	s17 =	simm.s32 $0x1;
	[sflag:s18] =	ssyncset.done @!p0 $0x0  }
.LBB2_4:
0x2d: {  	[sflag:s18] =	ssyncadd.s32 @!p0 $0xFFFFFB00  }
0x2e: {  	s16 =	sadd.s32 $0x50, s16;
	s18 =	smov.u32 s17;
	s17 =	sadd.s32 $0x1, s17  }
0x2f: {  	p1 =	sne.s32 s17, $0x7D  }
0x30: {  	[spmem:s2] =	stream.indirect.scatter.add.f32 [tilespmem:s11], [sflag:$0x1], $0x10, s16, s10, $0xb8;
	[tilespmem:$0x1B780] =	vst v63  }
.Ltmp1:
0x31: {  	_ = 	snop;
	(pc) =	sbr.rel @p1 .LBB2_4-.Ltmp1, $4  }
0x32: {  	p0 =	slt.u32 s18, $0x8  }
0x33: {  	s18 =	simm.s32 @!p0 $0x1  }
0x34: {  	_ =	swait.ge @!p0 [sflag:s18], $0x500  }
0x35: {  	[sflag:s18] =	ssyncset.done @!p0 $0x0  }
0x36: {  	[sflag:s18] =	ssyncadd.s32 @!p0 $0xFFFFFB00  }
0x37: {  	_ =	swait.ge [sflag:s12], $0x500  }
0x38: {  	[sflag:s12] =	ssyncset.done $0x0  }
0x39: {  	[sflag:s12] =	ssyncadd.s32 $0xFFFFFB00  }
0x3a: {  	_ =	swait.ge [sflag:s12], $0x500  }
0x3b: {  	[sflag:s12] =	ssyncset.done $0x0  }
0x3c: {  	[sflag:s12] =	ssyncadd.s32 $0xFFFFFB00  }
0x3d: {  	_ =	swait.ge [sflag:s12], $0x500  }
0x3e: {  	[sflag:s12] =	ssyncset.done $0x0  }
0x3f: {  	[sflag:s12] =	ssyncadd.s32 $0xFFFFFB00  }
0x40: {  	_ =	swait.ge [sflag:s12], $0x500  }
0x41: {  	[sflag:s12] =	ssyncset.done $0x0  }
0x42: {  	[sflag:s12] =	ssyncadd.s32 $0xFFFFFB00  }
0x43: {  	_ =	swait.ge [sflag:s12], $0x500  }
0x44: {  	[sflag:s12] =	ssyncset.done $0x0  }
0x45: {  	[sflag:s12] =	ssyncadd.s32 $0xFFFFFB00  }
0x46: {  	_ =	swait.ge [sflag:s12], $0x500  }
0x47: {  	[sflag:s12] =	ssyncset.done $0x0  }
0x48: {  	[sflag:s12] =	ssyncadd.s32 $0xFFFFFB00  }
0x49: {  	_ =	swait.ge [sflag:s12], $0x500  }
0x4a: {  	[sflag:s12] =	ssyncset.done $0x0  }
0x4b: {  	[sflag:s12] =	ssyncadd.s32 $0xFFFFFB00  }
0x4c: {  	_ =	swait.ge [sflag:s12], $0x500  }
0x4d: {  	s15 =	sadd.s32 $0x1, s15;
	[sflag:s12] =	ssyncset.done $0x0  }
0x4e: {  	p0 =	sne.s32 s15, s7;
	[sflag:s12] =	ssyncadd.s32 $0xFFFFFB00  }
.Ltmp2:
0x4f: {  	[bflag:$0x0] =	sbarrier.arrive $0xFFFF;
	(pc) =	sbr.rel @p0 .LBB2_1-.Ltmp2, $4  }
0x50: {  	[hbm:s6], [sflag:s13] =	dma.local [spmem:s14], $0x2800  }
0x51: {  	_ =	swait.ge [sflag:s9], $0x2800  }
0x52: {  	[sflag:s9] =	ssyncset.done $0x0  }
0x53: {  	[sflag:s9] =	ssyncadd.s32 $0xFFFFD800  }
0x54: {  	_ =	sfence.sel $0x180000  }
0x55: {  	[bflag:$0x0] =	sbarrier.arrive $0xFFFF  }
0x56: {  	p0 =	sne.s32 s0, $0x0;
	_ =	strace $0x90000047  }
0x57: {  	s0 =	sadd.s32 @!p0 $0x100000, s1;
	[bflag:$0x2] =	sbarrier.arrive $0xFFFF  }
0x58: {  	[sflag:s0] =	ssyncadd.tile.s32 @!p0 $0x1;
	_ =	shalt  }
.Lfunc_end2:
_tile_overlayer_lowered:
.L_overlay_start_2:
0x59: {  	(tag) =	ssettag $0x2  }
0x5a: {  	s0 =	rddreg [dreg:$0x0];
	s2 =	stileid.u32  }
0x5b: {  	s1 =	rddreg [dreg:$0x1];
	p0 =	sne.s32 s2, $0x0  }
0x5c: {  	s3 =	rddreg [dreg:$0x2];
	[bflag:$0x3] =	sbarrier.arrive $0xFFFF;
	s2 =	simm.s32 @!p0 $0x1C02  }
0x5d: {  	[timem:s3], [sflag:s2] =	dma.local @!p0 [hbm:s0], s1  }
0x5e: {  	s0 =	simm.s32 @!p0 $0x2  }
0x5f: {  	_ =	swait.ge @!p0 [sflag:s0], s1  }
0x60: {  	s1 =	ssub.s32 @!p0 $0x0, s1;
	[sflag:s0] =	ssyncset.done @!p0 $0x0  }
0x61: {  	[sflag:s0] =	ssyncadd.s32 @!p0 s1  }
0x62: {  	[bflag:$0x3] =	sbarrier.arrive $0xFFFF  }
0x63: {  	_ =	shalt  }

</sc_bundles>
